<compile_context>
chip_gen: v7x
topology: tpu7x:2x2x1
jax: 0.10.2.dev20260603
libtpu: 0.0.44.dev20260713+nightly
codegen_flags: <defaults>
</compile_context>

<pallas_src>
import jax
import jax.numpy as jnp
import numpy as np
from jax.experimental import pallas as pl
from jax.experimental.pallas import tpu as pltpu
from jax.experimental.pallas import tpu_sc as plsc

E, K, NC, D, P, NP, H, DH = 8, 3, 100, 192, 4, 64, 3, 64
B = 1024
FLAT = 3 * 32 * 32
SEQ = NP + 1
SEQP = 72
CIN = 64
NCP = 128
BLK = 32
NBLK = B // BLK + E
SLOTS = NBLK * BLK
DW = SEQP * CIN
SC_NC, SC_NS = 2, 16
NW = SC_NC * SC_NS
GPW = SLOTS // NW
GCH = 8
UPW = B // NW

_HI = jax.lax.Precision.HIGHEST
_DF = jax.lax.Precision.DEFAULT

_BLEND_NAMES = ['patch_w', 'patch_b', 'cls', 'pos', 'ln1_g', 'ln1_b', 'qkv_w',
                'qkv_b', 'proj_w', 'proj_b', 'ln2_g', 'ln2_b', 'mlp_w1',
                'mlp_b1', 'mlp_w2', 'mlp_b2', 'lnf_g', 'lnf_b', 'head_w',
                'head_b']


def _blend_kern(s_ref, *refs):
    n = len(refs) // 2
    s = s_ref[...]
    for i_ref, o_ref in zip(refs[:n], refs[n:]):
        o_ref[...] = jnp.dot(s, i_ref[...], precision=_DF)


def _route_kern(lg_ref, dest_ref, bexp_ref):
    logits = lg_ref[...]
    m = jnp.max(logits, axis=-1, keepdims=True)
    eiota = jax.lax.broadcasted_iota(jnp.int32, (B, E), 1)
    idx = jnp.min(jnp.where(logits == m, eiota, E), axis=-1, keepdims=True)
    oh = (idx == eiota).astype(jnp.float32)
    ii = jax.lax.broadcasted_iota(jnp.int32, (B, B), 0)
    jj = jax.lax.broadcasted_iota(jnp.int32, (B, B), 1)
    ltri = (jj < ii).astype(jnp.float32)
    rank_all = jnp.dot(ltri, oh, precision=_HI)
    rank = jnp.sum(rank_all * oh, axis=-1, keepdims=True)
    counts = jnp.sum(oh, axis=0, keepdims=True)
    padded = jnp.ceil(counts / BLK) * BLK
    er = jax.lax.broadcasted_iota(jnp.int32, (E, E), 0)
    ec = jax.lax.broadcasted_iota(jnp.int32, (E, E), 1)
    ustrict = (er < ec).astype(jnp.float32)
    offs = jnp.dot(padded, ustrict, precision=_HI)
    dest = jnp.sum(oh * offs, axis=-1, keepdims=True) + rank
    dest_ref[...] = dest.astype(jnp.int32)
    rowi = jax.lax.broadcasted_iota(jnp.int32, (NBLK + 1, E), 0)
    pstart = (rowi * BLK).astype(jnp.float32)
    within = (pstart >= offs) & (pstart < offs + padded)
    eid = jax.lax.broadcasted_iota(jnp.int32, (NBLK + 1, E), 1)
    base = jnp.sum(jnp.where(within, eid, 0), axis=-1, keepdims=True)
    nused = (jnp.sum(padded) * (1.0 / BLK)).astype(jnp.int32)
    bexp_ref[...] = base + jnp.where(rowi[:, :1] == NBLK, nused, 0)


def _invert_kern(dr_ref, src_ref):
    rows = jax.lax.broadcasted_iota(jnp.int32, (SLOTS, B), 0)
    ohs = (rows == dr_ref[...]).astype(jnp.float32)
    ic = jax.lax.broadcasted_iota(jnp.int32, (B, 1), 0).astype(jnp.float32)
    valid = jnp.sum(ohs, axis=-1, keepdims=True)
    srcf = jnp.dot(ohs, ic, precision=_HI) + (1.0 - valid) * B
    src_ref[...] = srcf.astype(jnp.int32)


def _sc_gather_body(tab_ref, idx_ref, out_ref, idx_v, rows_v, sem):
    wid = jax.lax.axis_index("s") * SC_NC + jax.lax.axis_index("c")
    base = wid * GPW
    for c in range(GPW // GCH):
        off = base + c * GCH
        pltpu.sync_copy(idx_ref.at[pl.ds(off, GCH)], idx_v)
        pltpu.async_copy(tab_ref.at[idx_v], rows_v, sem).wait()
        pltpu.sync_copy(rows_v, out_ref.at[pl.ds(off, GCH)])


def _sc_unscatter_body(tab_ref, idx_ref, out_ref, idx_v, rows_v, sem):
    wid = jax.lax.axis_index("s") * SC_NC + jax.lax.axis_index("c")
    base = wid * UPW
    pltpu.sync_copy(idx_ref.at[pl.ds(base, UPW)], idx_v)
    pltpu.async_copy(tab_ref.at[idx_v], rows_v, sem).wait()
    pltpu.sync_copy(rows_v, out_ref.at[pl.ds(base, UPW)])


def _lnk(x, g, b):
    m = x.mean(-1, keepdims=True)
    v = ((x - m) ** 2).mean(-1, keepdims=True)
    return (x - m) / jnp.sqrt(v + 1e-6) * g + b


def _expert_kern(bexp, xg_ref, pw_ref, pos_ref, ln1_ref, qkvw_ref, qkvb_ref,
                 pj_ref, pjb_ref, ln2_ref, w1_ref, b1_ref, w2_ref, b2_ref,
                 lnf_ref, hw_ref, hb_ref, out_ref):
    nused = bexp[NBLK]

    @pl.when(pl.program_id(0) < nused)
    def _body():
        _expert_compute(bexp, xg_ref, pw_ref, pos_ref, ln1_ref, qkvw_ref,
                        qkvb_ref, pj_ref, pjb_ref, ln2_ref, w1_ref, b1_ref,
                        w2_ref, b2_ref, lnf_ref, hw_ref, hb_ref, out_ref)


def _expert_compute(bexp, xg_ref, pw_ref, pos_ref, ln1_ref, qkvw_ref, qkvb_ref,
                    pj_ref, pjb_ref, ln2_ref, w1_ref, b1_ref, w2_ref, b2_ref,
                    lnf_ref, hw_ref, hb_ref, out_ref):
    xg = xg_ref[...]
    t2 = jnp.dot(xg, pw_ref[0], precision=_DF)
    t = t2.reshape(BLK, SEQP, D) + pos_ref[0]
    h = _lnk(t, ln1_ref[0, 0:1, :], ln1_ref[0, 1:2, :])
    h2 = h.reshape(BLK * SEQP, D)
    qkv = jnp.dot(h2, qkvw_ref[0], precision=_DF) + qkvb_ref[0]
    colmask = (jax.lax.broadcasted_iota(jnp.int32, (1, 1, SEQP), 2) < SEQ)
    attn_out = jnp.zeros((BLK * SEQP, D), dtype=jnp.float32)
    for hh in range(H):
        q3 = qkv[:, hh * DH:(hh + 1) * DH].reshape(BLK, SEQP, DH)
        k3 = qkv[:, D + hh * DH:D + (hh + 1) * DH].reshape(BLK, SEQP, DH)
        v3 = qkv[:, 2 * D + hh * DH:2 * D + (hh + 1) * DH].reshape(BLK, SEQP, DH)
        sc = jax.lax.dot_general(q3, k3, (((2,), (2,)), ((0,), (0,))),
                                 precision=_DF) * (1.0 / np.sqrt(DH))
        sc = jnp.where(colmask, sc, -1e9)
        att = jax.nn.softmax(sc, axis=-1)
        o3 = jax.lax.dot_general(att, v3, (((2,), (1,)), ((0,), (0,))),
                                 precision=_DF)
        attn_out = attn_out + jnp.dot(o3.reshape(BLK * SEQP, DH), pj_ref[0, hh],
                                      precision=_DF)
    t = t + attn_out.reshape(BLK, SEQP, D) + pjb_ref[0]
    h = _lnk(t, ln2_ref[0, 0:1, :], ln2_ref[0, 1:2, :])
    h2 = h.reshape(BLK * SEQP, D)
    mh = jax.nn.gelu(jnp.dot(h2, w1_ref[0], precision=_DF) + b1_ref[0])
    m2 = jnp.dot(mh, w2_ref[0], precision=_DF) + b2_ref[0]
    t = t + m2.reshape(BLK, SEQP, D)
    f = t[:, 0, :]
    f = _lnk(f, lnf_ref[0, 0:1, :], lnf_ref[0, 1:2, :])
    out_ref[...] = jnp.dot(f, hw_ref[0], precision=_DF) + hb_ref[0]


def kernel(input, coeffs_t, params):
    x = input.astype(jnp.float32)
    f32 = jnp.float32

    ins, shapes = [], {}
    for name in _BLEND_NAMES:
        v = params[name]
        shapes[name] = (E,) + v.shape[2:]
        ins.append(v.reshape(E * K, -1))
    sel = jnp.kron(jnp.eye(E, dtype=f32), coeffs_t.astype(f32)[None, :])
    outs = []
    for lo, hi in ((0, 13), (13, len(ins))):
        grp = ins[lo:hi]
        outs += pl.pallas_call(
            _blend_kern,
            in_specs=([pl.BlockSpec((E, E * K), lambda: (0, 0))] +
                      [pl.BlockSpec(a.shape, lambda: (0, 0)) for a in grp]),
            out_specs=[pl.BlockSpec((E, a.shape[1]), lambda: (0, 0)) for a in grp],
            out_shape=[jax.ShapeDtypeStruct((E, a.shape[1]), f32) for a in grp],
        )(sel, *grp)
    bld = {name: o.reshape(shapes[name]) for name, o in zip(_BLEND_NAMES, outs)}

    pw_pad = jnp.concatenate(
        [bld['patch_w'], bld['cls'], bld['patch_b'][:, None, :],
         jnp.zeros((E, CIN - 50, D), f32)], axis=1)
    pos_p = jnp.pad(bld['pos'], ((0, 0), (0, SEQP - SEQ), (0, 0)))
    qkvw = bld['qkv_w']
    qkvb = bld['qkv_b'][:, None, :]
    pj = bld['proj_w'].reshape(E, H, DH, D)
    pjb = bld['proj_b'][:, None, :]
    w1, b1r = bld['mlp_w1'], bld['mlp_b1'][:, None, :]
    w2, b2r = bld['mlp_w2'], bld['mlp_b2'][:, None, :]
    hw_p = jnp.pad(bld['head_w'], ((0, 0), (0, 0), (0, NCP - NC)))
    hb_p = jnp.pad(bld['head_b'], ((0, 0), (0, NCP - NC)))[:, None, :]
    ln1 = jnp.stack([bld['ln1_g'], bld['ln1_b']], axis=1)
    ln2 = jnp.stack([bld['ln2_g'], bld['ln2_b']], axis=1)
    lnf = jnp.stack([bld['lnf_g'], bld['lnf_b']], axis=1)

    rw = jnp.tensordot(coeffs_t, params['router_w'], axes=(0, 0))
    rb = jnp.tensordot(coeffs_t, params['router_b'], axes=(0, 0))
    logits = x.reshape(B, FLAT) @ rw + rb
    dest, bexp = pl.pallas_call(
        _route_kern,
        in_specs=[pl.BlockSpec((B, E), lambda: (0, 0))],
        out_specs=[pl.BlockSpec((B, 1), lambda: (0, 0)),
                   pl.BlockSpec((NBLK + 1, 1), lambda: (0, 0))],
        out_shape=[jax.ShapeDtypeStruct((B, 1), jnp.int32),
                   jax.ShapeDtypeStruct((NBLK + 1, 1), jnp.int32)],
    )(logits)

    patches = x.reshape(B, 3, 8, P, 8, P).transpose(0, 2, 4, 1, 3, 5).reshape(B, NP, 48)
    prow = jnp.concatenate(
        [patches, jnp.zeros((B, NP, 1), f32), jnp.ones((B, NP, 1), f32),
         jnp.zeros((B, NP, CIN - 50), f32)], axis=-1)
    c0 = jnp.zeros((CIN,), f32).at[48].set(1.0)
    row0 = jnp.broadcast_to(c0, (B, 1, CIN))
    xp = jnp.concatenate([row0, prow, jnp.zeros((B, SEQP - SEQ, CIN), f32)],
                         axis=1).reshape(B, SEQP * CIN)
    src = pl.pallas_call(
        _invert_kern,
        in_specs=[pl.BlockSpec((1, B), lambda: (0, 0))],
        out_specs=pl.BlockSpec((SLOTS, 1), lambda: (0, 0)),
        out_shape=jax.ShapeDtypeStruct((SLOTS, 1), jnp.int32),
    )(dest.reshape(1, B)).reshape(SLOTS)
    xp_tab = jnp.concatenate([xp, jnp.zeros((8, DW), f32)], axis=0)
    xg = pl.kernel(
        _sc_gather_body,
        out_type=jax.ShapeDtypeStruct((SLOTS, DW), f32),
        mesh=plsc.VectorSubcoreMesh(core_axis_name="c", subcore_axis_name="s"),
        scratch_types=[pltpu.VMEM((GCH,), jnp.int32),
                       pltpu.VMEM((GCH, DW), f32),
                       pltpu.SemaphoreType.DMA],
    )(xp_tab, src).reshape(SLOTS * SEQP, CIN)

    grid_spec = pltpu.PrefetchScalarGridSpec(
        num_scalar_prefetch=1,
        grid=(NBLK,),
        in_specs=[
            pl.BlockSpec((BLK * SEQP, CIN), lambda i, be: (i, 0)),
            pl.BlockSpec((1, CIN, D), lambda i, be: (be[i], 0, 0)),
            pl.BlockSpec((1, SEQP, D), lambda i, be: (be[i], 0, 0)),
            pl.BlockSpec((1, 2, D), lambda i, be: (be[i], 0, 0)),
            pl.BlockSpec((1, D, 3 * D), lambda i, be: (be[i], 0, 0)),
            pl.BlockSpec((1, 1, 3 * D), lambda i, be: (be[i], 0, 0)),
            pl.BlockSpec((1, H, DH, D), lambda i, be: (be[i], 0, 0, 0)),
            pl.BlockSpec((1, 1, D), lambda i, be: (be[i], 0, 0)),
            pl.BlockSpec((1, 2, D), lambda i, be: (be[i], 0, 0)),
            pl.BlockSpec((1, D, 4 * D), lambda i, be: (be[i], 0, 0)),
            pl.BlockSpec((1, 1, 4 * D), lambda i, be: (be[i], 0, 0)),
            pl.BlockSpec((1, 4 * D, D), lambda i, be: (be[i], 0, 0)),
            pl.BlockSpec((1, 1, D), lambda i, be: (be[i], 0, 0)),
            pl.BlockSpec((1, 2, D), lambda i, be: (be[i], 0, 0)),
            pl.BlockSpec((1, D, NCP), lambda i, be: (be[i], 0, 0)),
            pl.BlockSpec((1, 1, NCP), lambda i, be: (be[i], 0, 0)),
        ],
        out_specs=pl.BlockSpec((BLK, NCP), lambda i, be: (i, 0)),
    )
    slot_out = pl.pallas_call(
        _expert_kern,
        grid_spec=grid_spec,
        out_shape=jax.ShapeDtypeStruct((SLOTS, NCP), f32),
    )(bexp.reshape(NBLK + 1), xg, pw_pad, pos_p, ln1, qkvw, qkvb, pj, pjb,
      ln2, w1, b1r, w2, b2r, lnf, hw_p, hb_p)

    out = pl.kernel(
        _sc_unscatter_body,
        out_type=jax.ShapeDtypeStruct((B, NCP), f32),
        mesh=plsc.VectorSubcoreMesh(core_axis_name="c", subcore_axis_name="s"),
        scratch_types=[pltpu.VMEM((UPW,), jnp.int32),
                       pltpu.VMEM((UPW, NCP), f32),
                       pltpu.SemaphoreType.DMA],
    )(slot_out, dest.reshape(B))
    return out[:, :NC]

# --- scband reference (transcript-rebuilt; emitter-appended) ---
"""Pipeline reference for scband-moevi-tcurve-adapter-37933151158769 (READ-ONLY COPY).

The authoritative reference and input builder live on the scoring server;
editing this copy changes nothing except your own understanding.
"""

import jax, jax.numpy as jnp
import numpy as np

E, K, NC, D, P, NP, H, DH = 8, 3, 100, 192, 4, 64, 3, 64

def _blend(c, p):
    # curve parameter: weight = sum_k coeffs_t[k] * param_k
    return jnp.tensordot(c, p, axes=(0, 0))

def _ln(x, g, b):
    m = x.mean(-1, keepdims=True)
    v = ((x - m) ** 2).mean(-1, keepdims=True)
    return (x - m) / jnp.sqrt(v + 1e-6) * g + b

def _expert_fwd(x, ep):
    B = x.shape[0]
    patches = x.reshape(B, 3, 8, P, 8, P).transpose(0, 2, 4, 1, 3, 5).reshape(B, NP, 3 * P * P)
    t = patches @ ep['patch_w'] + ep['patch_b']
    cls = jnp.broadcast_to(ep['cls'], (B, 1, D))
    t = jnp.concatenate([cls, t], axis=1) + ep['pos']
    h = _ln(t, ep['ln1_g'], ep['ln1_b'])
    qkv = h @ ep['qkv_w'] + ep['qkv_b']
    q, k, v = jnp.split(qkv, 3, axis=-1)
    def sh(a):
        return a.reshape(B, NP + 1, H, DH).transpose(0, 2, 1, 3)
    q, k, v = sh(q), sh(k), sh(v)
    att = jax.nn.softmax(q @ k.transpose(0, 1, 3, 2) / np.sqrt(DH), axis=-1)
    o = (att @ v).transpose(0, 2, 1, 3).reshape(B, NP + 1, D)
    t = t + o @ ep['proj_w'] + ep['proj_b']
    h = _ln(t, ep['ln2_g'], ep['ln2_b'])
    h = jax.nn.gelu(h @ ep['mlp_w1'] + ep['mlp_b1']) @ ep['mlp_w2'] + ep['mlp_b2']
    t = t + h
    f = _ln(t[:, 0], ep['lnf_g'], ep['lnf_b'])
    return f @ ep['head_w'] + ep['head_b']

def _forward(x, coeffs_t, params):
    B = x.shape[0]
    flat = x.reshape(B, -1)
    rw = _blend(coeffs_t, params['router_w'])
    rb = _blend(coeffs_t, params['router_b'])
    idx = jnp.argmax(flat @ rw + rb, axis=-1)
    out = jnp.zeros((B, NC), dtype=x.dtype)
    for e in range(E):
        ep = {kk: _blend(coeffs_t, vv[e]) for kk, vv in params.items() if not kk.startswith('router')}
        oe = _expert_fwd(x, ep)
        out = jnp.where((idx == e)[:, None], oe, out)
    return out

def setup_inputs(seed: int = 0):
    key = jax.random.key(seed)
    ks = [jax.random.fold_in(key, i) for i in range(40)]
    it = iter(ks)
    def g(shape, s=0.02):
        return jax.random.normal(next(it), shape, dtype=jnp.float32) * s
    params = {
        'patch_w': g((E, K, 3 * P * P, D)), 'patch_b': g((E, K, D)),
        'cls': g((E, K, 1, D)), 'pos': g((E, K, NP + 1, D)),
        'ln1_g': jnp.ones((E, K, D), dtype=jnp.float32), 'ln1_b': jnp.zeros((E, K, D), dtype=jnp.float32),
        'qkv_w': g((E, K, D, 3 * D)), 'qkv_b': g((E, K, 3 * D)),
        'proj_w': g((E, K, D, D)), 'proj_b': g((E, K, D)),
        'ln2_g': jnp.ones((E, K, D), dtype=jnp.float32), 'ln2_b': jnp.zeros((E, K, D), dtype=jnp.float32),
        'mlp_w1': g((E, K, D, 4 * D)), 'mlp_b1': g((E, K, 4 * D)),
        'mlp_w2': g((E, K, 4 * D, D)), 'mlp_b2': g((E, K, D)),
        'lnf_g': jnp.ones((E, K, D), dtype=jnp.float32), 'lnf_b': jnp.zeros((E, K, D), dtype=jnp.float32),
        'head_w': g((E, K, D, NC)), 'head_b': g((E, K, NC)),
        'router_w': g((K, 3 * 32 * 32, E)), 'router_b': g((K, E)),
    }
    inp = jax.random.normal(jax.random.fold_in(key, 100), (1024, 3, 32, 32), dtype=jnp.float32)
    coeffs_t = jax.random.uniform(jax.random.fold_in(key, 101), (K,), dtype=jnp.float32)
    coeffs_t = coeffs_t / coeffs_t.sum()
    return {'input': inp, 'coeffs_t': coeffs_t, 'params': params}

def reference(input, coeffs_t, params):
    return _forward(input, coeffs_t, params)

if __name__ == "__main__":
    import jax
    _d = setup_inputs()
    print(jax.jit(kernel)(*tuple(_d.values())))

</pallas_src>

<mosaic_0001>
#map = affine_map<(d0, d1) -> (0, 0)>
#map1 = affine_map<(d0, d1) -> (0)>
module attributes {stable_mosaic.version = 14 : i64} {
  func.func @_sc_unscatter_body(%arg0: i32, %arg1: i32, %arg2: memref<1280x128xf32, #tpu.memory_space<hbm>>, %arg3: memref<1024xi32, #tpu.memory_space<hbm>>, %arg4: memref<1024x128xf32, #tpu.memory_space<hbm>>, %arg5: memref<32xi32, #tpu.memory_space<vmem>>, %arg6: memref<32x128xf32, #tpu.memory_space<vmem>>, %arg7: memref<!tpu.dma_semaphore, #tpu.memory_space<semaphore_mem>>) attributes {dimension_semantics = [#tpu.dimension_semantics<core_parallel>, #tpu.dimension_semantics<subcore_parallel>], iteration_bounds = array<i64: 2, 16>, scalar_prefetch = 0 : i64, scratch_operands = 3 : i64, tpu.core_type = #tpu.core_type<sc_vector_subcore>, window_params = [{transform_indices = #map}, {transform_indices = #map1}, {transform_indices = #map}]} {
    %mul3A = arith.constant 2 : i32
    %mul3A_0 = arith.muli %arg1, %mul3A : i32
    %add3A = arith.addi %mul3A_0, %arg0 : i32
    %mul3A_1 = arith.constant 32 : i32
    %mul3A_2 = arith.muli %add3A, %mul3A_1 : i32
    "tpu.region"() ({
      %run_scoped3A = tpu.sem_alloc : memref<!tpu.dma_semaphore, #tpu.memory_space<semaphore_mem>>
      %dma_start3A_7 = tpu.memref_slice %arg3[%mul3A_2] : memref<1024xi32, #tpu.memory_space<hbm>> -> memref<32xi32, #tpu.memory_space<hbm>>
      %dma_start3A_8 = tpu.memref_slice %arg3[%mul3A_2] : memref<1024xi32, #tpu.memory_space<hbm>> -> memref<32xi32, #tpu.memory_space<hbm>>
      tpu.enqueue_dma source(%dma_start3A_8 : memref<32xi32, #tpu.memory_space<hbm>>) target(%arg5 : memref<32xi32, #tpu.memory_space<vmem>>) target_semaphore(%run_scoped3A : memref<!tpu.dma_semaphore, #tpu.memory_space<semaphore_mem>>)
      %dma_wait3A_9 = tpu.memref_slice %arg3[%mul3A_2] : memref<1024xi32, #tpu.memory_space<hbm>> -> memref<32xi32, #tpu.memory_space<hbm>>
      %dma_wait3A_10 = tpu.memref_slice %arg3[%mul3A_2] : memref<1024xi32, #tpu.memory_space<hbm>> -> memref<32xi32, #tpu.memory_space<hbm>>
      tpu.wait_dma2 semaphore(%run_scoped3A : memref<!tpu.dma_semaphore, #tpu.memory_space<semaphore_mem>>) src(%dma_wait3A_10 : memref<32xi32, #tpu.memory_space<hbm>>) dst(%arg5 : memref<32xi32, #tpu.memory_space<vmem>>)
      tpu.yield
    }) : () -> ()
    %dma_start3A = arith.constant 0 : i32
    %dma_start3A_3 = arith.constant 0 : i32
    %dma_start3A_4 = tpu.memref_slice %arg2[%dma_start3A, %dma_start3A_3] : memref<1280x128xf32, #tpu.memory_space<hbm>> -> memref<1280x128xf32, #tpu.memory_space<hbm>>
    tpu.enqueue_indirect_dma source(%dma_start3A_4 : memref<1280x128xf32, #tpu.memory_space<hbm>>) target(%arg6 : memref<32x128xf32, #tpu.memory_space<vmem>>) offsets(%arg5 : memref<32xi32, #tpu.memory_space<vmem>>) semaphore(%arg7 : memref<!tpu.dma_semaphore, #tpu.memory_space<semaphore_mem>>)
    %dma_wait3A = arith.constant 0 : i32
    %dma_wait3A_5 = arith.constant 0 : i32
    %dma_wait3A_6 = tpu.memref_slice %arg2[%dma_wait3A, %dma_wait3A_5] : memref<1280x128xf32, #tpu.memory_space<hbm>> -> memref<1280x128xf32, #tpu.memory_space<hbm>>
    tpu.wait_indirect_dma semaphore(%arg7 : memref<!tpu.dma_semaphore, #tpu.memory_space<semaphore_mem>>) src(%dma_wait3A_6 : memref<1280x128xf32, #tpu.memory_space<hbm>>) dst(%arg6 : memref<32x128xf32, #tpu.memory_space<vmem>>)
    "tpu.region"() ({
      %run_scoped3A = tpu.sem_alloc : memref<!tpu.dma_semaphore, #tpu.memory_space<semaphore_mem>>
      %dma_start3A_7 = arith.constant 0 : i32
      %dma_start3A_8 = tpu.memref_slice %arg4[%mul3A_2, %dma_start3A_7] : memref<1024x128xf32, #tpu.memory_space<hbm>> -> memref<32x128xf32, #tpu.memory_space<hbm>>
      %dma_start3A_9 = arith.constant 0 : i32
      %dma_start3A_10 = tpu.memref_slice %arg4[%mul3A_2, %dma_start3A_9] : memref<1024x128xf32, #tpu.memory_space<hbm>> -> memref<32x128xf32, #tpu.memory_space<hbm>>
      tpu.enqueue_dma source(%arg6 : memref<32x128xf32, #tpu.memory_space<vmem>>) target(%dma_start3A_10 : memref<32x128xf32, #tpu.memory_space<hbm>>) target_semaphore(%run_scoped3A : memref<!tpu.dma_semaphore, #tpu.memory_space<semaphore_mem>>)
      %dma_wait3A_11 = arith.constant 0 : i32
      %dma_wait3A_12 = tpu.memref_slice %arg4[%mul3A_2, %dma_wait3A_11] : memref<1024x128xf32, #tpu.memory_space<hbm>> -> memref<32x128xf32, #tpu.memory_space<hbm>>
      %dma_wait3A_13 = arith.constant 0 : i32
      %dma_wait3A_14 = tpu.memref_slice %arg4[%mul3A_2, %dma_wait3A_13] : memref<1024x128xf32, #tpu.memory_space<hbm>> -> memref<32x128xf32, #tpu.memory_space<hbm>>
      tpu.wait_dma2 semaphore(%run_scoped3A : memref<!tpu.dma_semaphore, #tpu.memory_space<semaphore_mem>>) src(%arg6 : memref<32x128xf32, #tpu.memory_space<vmem>>) dst(%dma_wait3A_14 : memref<32x128xf32, #tpu.memory_space<hbm>>)
      tpu.yield
    }) : () -> ()
    return
  }
}

#map = affine_map<(d0, d1) -> (0, 0)>
#map1 = affine_map<(d0, d1) -> (0)>
module attributes {stable_mosaic.version = 14 : i64} {
  func.func @_sc_gather_body(%arg0: i32, %arg1: i32, %arg2: memref<1032x4608xf32, #tpu.memory_space<hbm>>, %arg3: memref<1280xi32, #tpu.memory_space<hbm>>, %arg4: memref<1280x4608xf32, #tpu.memory_space<hbm>>, %arg5: memref<8xi32, #tpu.memory_space<vmem>>, %arg6: memref<8x4608xf32, #tpu.memory_space<vmem>>, %arg7: memref<!tpu.dma_semaphore, #tpu.memory_space<semaphore_mem>>) attributes {dimension_semantics = [#tpu.dimension_semantics<core_parallel>, #tpu.dimension_semantics<subcore_parallel>], iteration_bounds = array<i64: 2, 16>, scalar_prefetch = 0 : i64, scratch_operands = 3 : i64, tpu.core_type = #tpu.core_type<sc_vector_subcore>, window_params = [{transform_indices = #map}, {transform_indices = #map1}, {transform_indices = #map}]} {
    %mul3A = arith.constant 2 : i32
    %mul3A_0 = arith.muli %arg1, %mul3A : i32
    %add3A = arith.addi %mul3A_0, %arg0 : i32
    %mul3A_1 = arith.constant 40 : i32
    %mul3A_2 = arith.muli %add3A, %mul3A_1 : i32
    %add3A_3 = arith.constant 0 : i32
    %add3A_4 = arith.addi %mul3A_2, %add3A_3 : i32
    "tpu.region"() ({
      %run_scoped3A = tpu.sem_alloc : memref<!tpu.dma_semaphore, #tpu.memory_space<semaphore_mem>>
      %dma_start3A_41 = tpu.memref_slice %arg3[%add3A_4] : memref<1280xi32, #tpu.memory_space<hbm>> -> memref<8xi32, #tpu.memory_space<hbm>>
      %dma_start3A_42 = tpu.memref_slice %arg3[%add3A_4] : memref<1280xi32, #tpu.memory_space<hbm>> -> memref<8xi32, #tpu.memory_space<hbm>>
      tpu.enqueue_dma source(%dma_start3A_42 : memref<8xi32, #tpu.memory_space<hbm>>) target(%arg5 : memref<8xi32, #tpu.memory_space<vmem>>) target_semaphore(%run_scoped3A : memref<!tpu.dma_semaphore, #tpu.memory_space<semaphore_mem>>)
      %dma_wait3A_43 = tpu.memref_slice %arg3[%add3A_4] : memref<1280xi32, #tpu.memory_space<hbm>> -> memref<8xi32, #tpu.memory_space<hbm>>
      %dma_wait3A_44 = tpu.memref_slice %arg3[%add3A_4] : memref<1280xi32, #tpu.memory_space<hbm>> -> memref<8xi32, #tpu.memory_space<hbm>>
      tpu.wait_dma2 semaphore(%run_scoped3A : memref<!tpu.dma_semaphore, #tpu.memory_space<semaphore_mem>>) src(%dma_wait3A_44 : memref<8xi32, #tpu.memory_space<hbm>>) dst(%arg5 : memref<8xi32, #tpu.memory_space<vmem>>)
      tpu.yield
    }) : () -> ()
    %dma_start3A = arith.constant 0 : i32
    %dma_start3A_5 = arith.constant 0 : i32
    %dma_start3A_6 = tpu.memref_slice %arg2[%dma_start3A, %dma_start3A_5] : memref<1032x4608xf32, #tpu.memory_space<hbm>> -> memref<1032x4608xf32, #tpu.memory_space<hbm>>
    tpu.enqueue_indirect_dma source(%dma_start3A_6 : memref<1032x4608xf32, #tpu.memory_space<hbm>>) target(%arg6 : memref<8x4608xf32, #tpu.memory_space<vmem>>) offsets(%arg5 : memref<8xi32, #tpu.memory_space<vmem>>) semaphore(%arg7 : memref<!tpu.dma_semaphore, #tpu.memory_space<semaphore_mem>>)
    %dma_wait3A = arith.constant 0 : i32
    %dma_wait3A_7 = arith.constant 0 : i32
    %dma_wait3A_8 = tpu.memref_slice %arg2[%dma_wait3A, %dma_wait3A_7] : memref<1032x4608xf32, #tpu.memory_space<hbm>> -> memref<1032x4608xf32, #tpu.memory_space<hbm>>
    tpu.wait_indirect_dma semaphore(%arg7 : memref<!tpu.dma_semaphore, #tpu.memory_space<semaphore_mem>>) src(%dma_wait3A_8 : memref<1032x4608xf32, #tpu.memory_space<hbm>>) dst(%arg6 : memref<8x4608xf32, #tpu.memory_space<vmem>>)
    "tpu.region"() ({
      %run_scoped3A = tpu.sem_alloc : memref<!tpu.dma_semaphore, #tpu.memory_space<semaphore_mem>>
      %dma_start3A_41 = arith.constant 0 : i32
      %dma_start3A_42 = tpu.memref_slice %arg4[%add3A_4, %dma_start3A_41] : memref<1280x4608xf32, #tpu.memory_space<hbm>> -> memref<8x4608xf32, #tpu.memory_space<hbm>>
      %dma_start3A_43 = arith.constant 0 : i32
      %dma_start3A_44 = tpu.memref_slice %arg4[%add3A_4, %dma_start3A_43] : memref<1280x4608xf32, #tpu.memory_space<hbm>> -> memref<8x4608xf32, #tpu.memory_space<hbm>>
      tpu.enqueue_dma source(%arg6 : memref<8x4608xf32, #tpu.memory_space<vmem>>) target(%dma_start3A_44 : memref<8x4608xf32, #tpu.memory_space<hbm>>) target_semaphore(%run_scoped3A : memref<!tpu.dma_semaphore, #tpu.memory_space<semaphore_mem>>)
      %dma_wait3A_45 = arith.constant 0 : i32
      %dma_wait3A_46 = tpu.memref_slice %arg4[%add3A_4, %dma_wait3A_45] : memref<1280x4608xf32, #tpu.memory_space<hbm>> -> memref<8x4608xf32, #tpu.memory_space<hbm>>
      %dma_wait3A_47 = arith.constant 0 : i32
      %dma_wait3A_48 = tpu.memref_slice %arg4[%add3A_4, %dma_wait3A_47] : memref<1280x4608xf32, #tpu.memory_space<hbm>> -> memref<8x4608xf32, #tpu.memory_space<hbm>>
      tpu.wait_dma2 semaphore(%run_scoped3A : memref<!tpu.dma_semaphore, #tpu.memory_space<semaphore_mem>>) src(%arg6 : memref<8x4608xf32, #tpu.memory_space<vmem>>) dst(%dma_wait3A_48 : memref<8x4608xf32, #tpu.memory_space<hbm>>)
      tpu.yield
    }) : () -> ()
    %add3A_9 = arith.constant 8 : i32
    %add3A_10 = arith.addi %mul3A_2, %add3A_9 : i32
    "tpu.region"() ({
      %run_scoped3A = tpu.sem_alloc : memref<!tpu.dma_semaphore, #tpu.memory_space<semaphore_mem>>
      %dma_start3A_41 = tpu.memref_slice %arg3[%add3A_10] : memref<1280xi32, #tpu.memory_space<hbm>> -> memref<8xi32, #tpu.memory_space<hbm>>
      %dma_start3A_42 = tpu.memref_slice %arg3[%add3A_10] : memref<1280xi32, #tpu.memory_space<hbm>> -> memref<8xi32, #tpu.memory_space<hbm>>
      tpu.enqueue_dma source(%dma_start3A_42 : memref<8xi32, #tpu.memory_space<hbm>>) target(%arg5 : memref<8xi32, #tpu.memory_space<vmem>>) target_semaphore(%run_scoped3A : memref<!tpu.dma_semaphore, #tpu.memory_space<semaphore_mem>>)
      %dma_wait3A_43 = tpu.memref_slice %arg3[%add3A_10] : memref<1280xi32, #tpu.memory_space<hbm>> -> memref<8xi32, #tpu.memory_space<hbm>>
      %dma_wait3A_44 = tpu.memref_slice %arg3[%add3A_10] : memref<1280xi32, #tpu.memory_space<hbm>> -> memref<8xi32, #tpu.memory_space<hbm>>
      tpu.wait_dma2 semaphore(%run_scoped3A : memref<!tpu.dma_semaphore, #tpu.memory_space<semaphore_mem>>) src(%dma_wait3A_44 : memref<8xi32, #tpu.memory_space<hbm>>) dst(%arg5 : memref<8xi32, #tpu.memory_space<vmem>>)
      tpu.yield
    }) : () -> ()
    %dma_start3A_11 = arith.constant 0 : i32
    %dma_start3A_12 = arith.constant 0 : i32
    %dma_start3A_13 = tpu.memref_slice %arg2[%dma_start3A_11, %dma_start3A_12] : memref<1032x4608xf32, #tpu.memory_space<hbm>> -> memref<1032x4608xf32, #tpu.memory_space<hbm>>
    tpu.enqueue_indirect_dma source(%dma_start3A_13 : memref<1032x4608xf32, #tpu.memory_space<hbm>>) target(%arg6 : memref<8x4608xf32, #tpu.memory_space<vmem>>) offsets(%arg5 : memref<8xi32, #tpu.memory_space<vmem>>) semaphore(%arg7 : memref<!tpu.dma_semaphore, #tpu.memory_space<semaphore_mem>>)
    %dma_wait3A_14 = arith.constant 0 : i32
    %dma_wait3A_15 = arith.constant 0 : i32
    %dma_wait3A_16 = tpu.memref_slice %arg2[%dma_wait3A_14, %dma_wait3A_15] : memref<1032x4608xf32, #tpu.memory_space<hbm>> -> memref<1032x4608xf32, #tpu.memory_space<hbm>>
    tpu.wait_indirect_dma semaphore(%arg7 : memref<!tpu.dma_semaphore, #tpu.memory_space<semaphore_mem>>) src(%dma_wait3A_16 : memref<1032x4608xf32, #tpu.memory_space<hbm>>) dst(%arg6 : memref<8x4608xf32, #tpu.memory_space<vmem>>)
    "tpu.region"() ({
      %run_scoped3A = tpu.sem_alloc : memref<!tpu.dma_semaphore, #tpu.memory_space<semaphore_mem>>
      %dma_start3A_41 = arith.constant 0 : i32
      %dma_start3A_42 = tpu.memref_slice %arg4[%add3A_10, %dma_start3A_41] : memref<1280x4608xf32, #tpu.memory_space<hbm>> -> memref<8x4608xf32, #tpu.memory_space<hbm>>
      %dma_start3A_43 = arith.constant 0 : i32
      %dma_start3A_44 = tpu.memref_slice %arg4[%add3A_10, %dma_start3A_43] : memref<1280x4608xf32, #tpu.memory_space<hbm>> -> memref<8x4608xf32, #tpu.memory_space<hbm>>
      tpu.enqueue_dma source(%arg6 : memref<8x4608xf32, #tpu.memory_space<vmem>>) target(%dma_start3A_44 : memref<8x4608xf32, #tpu.memory_space<hbm>>) target_semaphore(%run_scoped3A : memref<!tpu.dma_semaphore, #tpu.memory_space<semaphore_mem>>)
      %dma_wait3A_45 = arith.constant 0 : i32
      %dma_wait3A_46 = tpu.memref_slice %arg4[%add3A_10, %dma_wait3A_45] : memref<1280x4608xf32, #tpu.memory_space<hbm>> -> memref<8x4608xf32, #tpu.memory_space<hbm>>
      %dma_wait3A_47 = arith.constant 0 : i32
      %dma_wait3A_48 = tpu.memref_slice %arg4[%add3A_10, %dma_wait3A_47] : memref<1280x4608xf32, #tpu.memory_space<hbm>> -> memref<8x4608xf32, #tpu.memory_space<hbm>>
      tpu.wait_dma2 semaphore(%run_scoped3A : memref<!tpu.dma_semaphore, #tpu.memory_space<semaphore_mem>>) src(%arg6 : memref<8x4608xf32, #tpu.memory_space<vmem>>) dst(%dma_wait3A_48 : memref<8x4608xf32, #tpu.memory_space<hbm>>)
      tpu.yield
    }) : () -> ()
    %add3A_17 = arith.constant 16 : i32
    %add3A_18 = arith.addi %mul3A_2, %add3A_17 : i32
    "tpu.region"() ({
      %run_scoped3A = tpu.sem_alloc : memref<!tpu.dma_semaphore, #tpu.memory_space<semaphore_mem>>
      %dma_start3A_41 = tpu.memref_slice %arg3[%add3A_18] : memref<1280xi32, #tpu.memory_space<hbm>> -> memref<8xi32, #tpu.memory_space<hbm>>
      %dma_start3A_42 = tpu.memref_slice %arg3[%add3A_18] : memref<1280xi32, #tpu.memory_space<hbm>> -> memref<8xi32, #tpu.memory_space<hbm>>
      tpu.enqueue_dma source(%dma_start3A_42 : memref<8xi32, #tpu.memory_space<hbm>>) target(%arg5 : memref<8xi32, #tpu.memory_space<vmem>>) target_semaphore(%run_scoped3A : memref<!tpu.dma_semaphore, #tpu.memory_space<semaphore_mem>>)
      %dma_wait3A_43 = tpu.memref_slice %arg3[%add3A_18] : memref<1280xi32, #tpu.memory_space<hbm>> -> memref<8xi32, #tpu.memory_space<hbm>>
      %dma_wait3A_44 = tpu.memref_slice %arg3[%add3A_18] : memref<1280xi32, #tpu.memory_space<hbm>> -> memref<8xi32, #tpu.memory_space<hbm>>
      tpu.wait_dma2 semaphore(%run_scoped3A : memref<!tpu.dma_semaphore, #tpu.memory_space<semaphore_mem>>) src(%dma_wait3A_44 : memref<8xi32, #tpu.memory_space<hbm>>) dst(%arg5 : memref<8xi32, #tpu.memory_space<vmem>>)
      tpu.yield
    }) : () -> ()
    %dma_start3A_19 = arith.constant 0 : i32
    %dma_start3A_20 = arith.constant 0 : i32
    %dma_start3A_21 = tpu.memref_slice %arg2[%dma_start3A_19, %dma_start3A_20] : memref<1032x4608xf32, #tpu.memory_space<hbm>> -> memref<1032x4608xf32, #tpu.memory_space<hbm>>
    tpu.enqueue_indirect_dma source(%dma_start3A_21 : memref<1032x4608xf32, #tpu.memory_space<hbm>>) target(%arg6 : memref<8x4608xf32, #tpu.memory_space<vmem>>) offsets(%arg5 : memref<8xi32, #tpu.memory_space<vmem>>) semaphore(%arg7 : memref<!tpu.dma_semaphore, #tpu.memory_space<semaphore_mem>>)
    %dma_wait3A_22 = arith.constant 0 : i32
    %dma_wait3A_23 = arith.constant 0 : i32
    %dma_wait3A_24 = tpu.memref_slice %arg2[%dma_wait3A_22, %dma_wait3A_23] : memref<1032x4608xf32, #tpu.memory_space<hbm>> -> memref<1032x4608xf32, #tpu.memory_space<hbm>>
    tpu.wait_indirect_dma semaphore(%arg7 : memref<!tpu.dma_semaphore, #tpu.memory_space<semaphore_mem>>) src(%dma_wait3A_24 : memref<1032x4608xf32, #tpu.memory_space<hbm>>) dst(%arg6 : memref<8x4608xf32, #tpu.memory_space<vmem>>)
    "tpu.region"() ({
      %run_scoped3A = tpu.sem_alloc : memref<!tpu.dma_semaphore, #tpu.memory_space<semaphore_mem>>
      %dma_start3A_41 = arith.constant 0 : i32
      %dma_start3A_42 = tpu.memref_slice %arg4[%add3A_18, %dma_start3A_41] : memref<1280x4608xf32, #tpu.memory_space<hbm>> -> memref<8x4608xf32, #tpu.memory_space<hbm>>
      %dma_start3A_43 = arith.constant 0 : i32
      %dma_start3A_44 = tpu.memref_slice %arg4[%add3A_18, %dma_start3A_43] : memref<1280x4608xf32, #tpu.memory_space<hbm>> -> memref<8x4608xf32, #tpu.memory_space<hbm>>
      tpu.enqueue_dma source(%arg6 : memref<8x4608xf32, #tpu.memory_space<vmem>>) target(%dma_start3A_44 : memref<8x4608xf32, #tpu.memory_space<hbm>>) target_semaphore(%run_scoped3A : memref<!tpu.dma_semaphore, #tpu.memory_space<semaphore_mem>>)
      %dma_wait3A_45 = arith.constant 0 : i32
      %dma_wait3A_46 = tpu.memref_slice %arg4[%add3A_18, %dma_wait3A_45] : memref<1280x4608xf32, #tpu.memory_space<hbm>> -> memref<8x4608xf32, #tpu.memory_space<hbm>>
      %dma_wait3A_47 = arith.constant 0 : i32
      %dma_wait3A_48 = tpu.memref_slice %arg4[%add3A_18, %dma_wait3A_47] : memref<1280x4608xf32, #tpu.memory_space<hbm>> -> memref<8x4608xf32, #tpu.memory_space<hbm>>
      tpu.wait_dma2 semaphore(%run_scoped3A : memref<!tpu.dma_semaphore, #tpu.memory_space<semaphore_mem>>) src(%arg6 : memref<8x4608xf32, #tpu.memory_space<vmem>>) dst(%dma_wait3A_48 : memref<8x4608xf32, #tpu.memory_space<hbm>>)
      tpu.yield
    }) : () -> ()
    %add3A_25 = arith.constant 24 : i32
    %add3A_26 = arith.addi %mul3A_2, %add3A_25 : i32
    "tpu.region"() ({
      %run_scoped3A = tpu.sem_alloc : memref<!tpu.dma_semaphore, #tpu.memory_space<semaphore_mem>>
      %dma_start3A_41 = tpu.memref_slice %arg3[%add3A_26] : memref<1280xi32, #tpu.memory_space<hbm>> -> memref<8xi32, #tpu.memory_space<hbm>>
      %dma_start3A_42 = tpu.memref_slice %arg3[%add3A_26] : memref<1280xi32, #tpu.memory_space<hbm>> -> memref<8xi32, #tpu.memory_space<hbm>>
      tpu.enqueue_dma source(%dma_start3A_42 : memref<8xi32, #tpu.memory_space<hbm>>) target(%arg5 : memref<8xi32, #tpu.memory_space<vmem>>) target_semaphore(%run_scoped3A : memref<!tpu.dma_semaphore, #tpu.memory_space<semaphore_mem>>)
      %dma_wait3A_43 = tpu.memref_slice %arg3[%add3A_26] : memref<1280xi32, #tpu.memory_space<hbm>> -> memref<8xi32, #tpu.memory_space<hbm>>
      %dma_wait3A_44 = tpu.memref_slice %arg3[%add3A_26] : memref<1280xi32, #tpu.memory_space<hbm>> -> memref<8xi32, #tpu.memory_space<hbm>>
      tpu.wait_dma2 semaphore(%run_scoped3A : memref<!tpu.dma_semaphore, #tpu.memory_space<semaphore_mem>>) src(%dma_wait3A_44 : memref<8xi32, #tpu.memory_space<hbm>>) dst(%arg5 : memref<8xi32, #tpu.memory_space<vmem>>)
      tpu.yield
    }) : () -> ()
    %dma_start3A_27 = arith.constant 0 : i32
    %dma_start3A_28 = arith.constant 0 : i32
    %dma_start3A_29 = tpu.memref_slice %arg2[%dma_start3A_27, %dma_start3A_28] : memref<1032x4608xf32, #tpu.memory_space<hbm>> -> memref<1032x4608xf32, #tpu.memory_space<hbm>>
    tpu.enqueue_indirect_dma source(%dma_start3A_29 : memref<1032x4608xf32, #tpu.memory_space<hbm>>) target(%arg6 : memref<8x4608xf32, #tpu.memory_space<vmem>>) offsets(%arg5 : memref<8xi32, #tpu.memory_space<vmem>>) semaphore(%arg7 : memref<!tpu.dma_semaphore, #tpu.memory_space<semaphore_mem>>)
    %dma_wait3A_30 = arith.constant 0 : i32
    %dma_wait3A_31 = arith.constant 0 : i32
    %dma_wait3A_32 = tpu.memref_slice %arg2[%dma_wait3A_30, %dma_wait3A_31] : memref<1032x4608xf32, #tpu.memory_space<hbm>> -> memref<1032x4608xf32, #tpu.memory_space<hbm>>
    tpu.wait_indirect_dma semaphore(%arg7 : memref<!tpu.dma_semaphore, #tpu.memory_space<semaphore_mem>>) src(%dma_wait3A_32 : memref<1032x4608xf32, #tpu.memory_space<hbm>>) dst(%arg6 : memref<8x4608xf32, #tpu.memory_space<vmem>>)
    "tpu.region"() ({
      %run_scoped3A = tpu.sem_alloc : memref<!tpu.dma_semaphore, #tpu.memory_space<semaphore_mem>>
      %dma_start3A_41 = arith.constant 0 : i32
      %dma_start3A_42 = tpu.memref_slice %arg4[%add3A_26, %dma_start3A_41] : memref<1280x4608xf32, #tpu.memory_space<hbm>> -> memref<8x4608xf32, #tpu.memory_space<hbm>>
      %dma_start3A_43 = arith.constant 0 : i32
      %dma_start3A_44 = tpu.memref_slice %arg4[%add3A_26, %dma_start3A_43] : memref<1280x4608xf32, #tpu.memory_space<hbm>> -> memref<8x4608xf32, #tpu.memory_space<hbm>>
      tpu.enqueue_dma source(%arg6 : memref<8x4608xf32, #tpu.memory_space<vmem>>) target(%dma_start3A_44 : memref<8x4608xf32, #tpu.memory_space<hbm>>) target_semaphore(%run_scoped3A : memref<!tpu.dma_semaphore, #tpu.memory_space<semaphore_mem>>)
      %dma_wait3A_45 = arith.constant 0 : i32
      %dma_wait3A_46 = tpu.memref_slice %arg4[%add3A_26, %dma_wait3A_45] : memref<1280x4608xf32, #tpu.memory_space<hbm>> -> memref<8x4608xf32, #tpu.memory_space<hbm>>
      %dma_wait3A_47 = arith.constant 0 : i32
      %dma_wait3A_48 = tpu.memref_slice %arg4[%add3A_26, %dma_wait3A_47] : memref<1280x4608xf32, #tpu.memory_space<hbm>> -> memref<8x4608xf32, #tpu.memory_space<hbm>>
      tpu.wait_dma2 semaphore(%run_scoped3A : memref<!tpu.dma_semaphore, #tpu.memory_space<semaphore_mem>>) src(%arg6 : memref<8x4608xf32, #tpu.memory_space<vmem>>) dst(%dma_wait3A_48 : memref<8x4608xf32, #tpu.memory_space<hbm>>)
      tpu.yield
    }) : () -> ()
    %add3A_33 = arith.constant 32 : i32
    %add3A_34 = arith.addi %mul3A_2, %add3A_33 : i32
    "tpu.region"() ({
      %run_scoped3A = tpu.sem_alloc : memref<!tpu.dma_semaphore, #tpu.memory_space<semaphore_mem>>
      %dma_start3A_41 = tpu.memref_slice %arg3[%add3A_34] : memref<1280xi32, #tpu.memory_space<hbm>> -> memref<8xi32, #tpu.memory_space<hbm>>
      %dma_start3A_42 = tpu.memref_slice %arg3[%add3A_34] : memref<1280xi32, #tpu.memory_space<hbm>> -> memref<8xi32, #tpu.memory_space<hbm>>
      tpu.enqueue_dma source(%dma_start3A_42 : memref<8xi32, #tpu.memory_space<hbm>>) target(%arg5 : memref<8xi32, #tpu.memory_space<vmem>>) target_semaphore(%run_scoped3A : memref<!tpu.dma_semaphore, #tpu.memory_space<semaphore_mem>>)
      %dma_wait3A_43 = tpu.memref_slice %arg3[%add3A_34] : memref<1280xi32, #tpu.memory_space<hbm>> -> memref<8xi32, #tpu.memory_space<hbm>>
      %dma_wait3A_44 = tpu.memref_slice %arg3[%add3A_34] : memref<1280xi32, #tpu.memory_space<hbm>> -> memref<8xi32, #tpu.memory_space<hbm>>
      tpu.wait_dma2 semaphore(%run_scoped3A : memref<!tpu.dma_semaphore, #tpu.memory_space<semaphore_mem>>) src(%dma_wait3A_44 : memref<8xi32, #tpu.memory_space<hbm>>) dst(%arg5 : memref<8xi32, #tpu.memory_space<vmem>>)
      tpu.yield
    }) : () -> ()
    %dma_start3A_35 = arith.constant 0 : i32
    %dma_start3A_36 = arith.constant 0 : i32
    %dma_start3A_37 = tpu.memref_slice %arg2[%dma_start3A_35, %dma_start3A_36] : memref<1032x4608xf32, #tpu.memory_space<hbm>> -> memref<1032x4608xf32, #tpu.memory_space<hbm>>
    tpu.enqueue_indirect_dma source(%dma_start3A_37 : memref<1032x4608xf32, #tpu.memory_space<hbm>>) target(%arg6 : memref<8x4608xf32, #tpu.memory_space<vmem>>) offsets(%arg5 : memref<8xi32, #tpu.memory_space<vmem>>) semaphore(%arg7 : memref<!tpu.dma_semaphore, #tpu.memory_space<semaphore_mem>>)
    %dma_wait3A_38 = arith.constant 0 : i32
    %dma_wait3A_39 = arith.constant 0 : i32
    %dma_wait3A_40 = tpu.memref_slice %arg2[%dma_wait3A_38, %dma_wait3A_39] : memref<1032x4608xf32, #tpu.memory_space<hbm>> -> memref<1032x4608xf32, #tpu.memory_space<hbm>>
    tpu.wait_indirect_dma semaphore(%arg7 : memref<!tpu.dma_semaphore, #tpu.memory_space<semaphore_mem>>) src(%dma_wait3A_40 : memref<1032x4608xf32, #tpu.memory_space<hbm>>) dst(%arg6 : memref<8x4608xf32, #tpu.memory_space<vmem>>)
    "tpu.region"() ({
      %run_scoped3A = tpu.sem_alloc : memref<!tpu.dma_semaphore, #tpu.memory_space<semaphore_mem>>
      %dma_start3A_41 = arith.constant 0 : i32
      %dma_start3A_42 = tpu.memref_slice %arg4[%add3A_34, %dma_start3A_41] : memref<1280x4608xf32, #tpu.memory_space<hbm>> -> memref<8x4608xf32, #tpu.memory_space<hbm>>
      %dma_start3A_43 = arith.constant 0 : i32
      %dma_start3A_44 = tpu.memref_slice %arg4[%add3A_34, %dma_start3A_43] : memref<1280x4608xf32, #tpu.memory_space<hbm>> -> memref<8x4608xf32, #tpu.memory_space<hbm>>
      tpu.enqueue_dma source(%arg6 : memref<8x4608xf32, #tpu.memory_space<vmem>>) target(%dma_start3A_44 : memref<8x4608xf32, #tpu.memory_space<hbm>>) target_semaphore(%run_scoped3A : memref<!tpu.dma_semaphore, #tpu.memory_space<semaphore_mem>>)
      %dma_wait3A_45 = arith.constant 0 : i32
      %dma_wait3A_46 = tpu.memref_slice %arg4[%add3A_34, %dma_wait3A_45] : memref<1280x4608xf32, #tpu.memory_space<hbm>> -> memref<8x4608xf32, #tpu.memory_space<hbm>>
      %dma_wait3A_47 = arith.constant 0 : i32
      %dma_wait3A_48 = tpu.memref_slice %arg4[%add3A_34, %dma_wait3A_47] : memref<1280x4608xf32, #tpu.memory_space<hbm>> -> memref<8x4608xf32, #tpu.memory_space<hbm>>
      tpu.wait_dma2 semaphore(%run_scoped3A : memref<!tpu.dma_semaphore, #tpu.memory_space<semaphore_mem>>) src(%arg6 : memref<8x4608xf32, #tpu.memory_space<vmem>>) dst(%dma_wait3A_48 : memref<8x4608xf32, #tpu.memory_space<hbm>>)
      tpu.yield
    }) : () -> ()
    return
  }
}

module attributes {stable_mosaic.version = 14 : i64} {
  func.func @_route_kern(%arg0: memref<1024x8xf32, #tpu.memory_space<vmem>>, %arg1: memref<1024x1xi32, #tpu.memory_space<vmem>>, %arg2: memref<41x1xi32, #tpu.memory_space<vmem>>) attributes {dimension_semantics = [], scalar_prefetch = 0 : i64, scratch_operands = 0 : i64, tpu.core_type = #tpu.core_type<tc>} {
    %get3A = arith.constant 0 : index
    %get3A_0 = arith.constant 0 : index
    %get3A_1 = vector.load %arg0[%get3A, %get3A_0] : memref<1024x8xf32, #tpu.memory_space<vmem>>, vector<1024x8xf32>
    %reduce_max3A = arith.constant dense<0xFF800000> : vector<1024xf32>
    %reduce_max3A_2 = vector.multi_reduction <maximumf>, %get3A_1, %reduce_max3A [1] : vector<1024x8xf32> to vector<1024xf32>
    %broadcast_in_dim3A = vector.shape_cast %reduce_max3A_2 : vector<1024xf32> to vector<1024x1xf32>
    %iota3A = tpu.iota {dimensions = array<i32: 1>} : vector<1024x8xi32>
    %eq3A = vector.broadcast %broadcast_in_dim3A : vector<1024x1xf32> to vector<1024x8xf32>
    %eq3A_3 = arith.cmpf oeq, %get3A_1, %eq3A : vector<1024x8xf32>
    %jit3A = arith.constant 8 : i32
    %broadcast_in_dim3A_4 = vector.broadcast %jit3A : i32 to vector<1024x8xi32>
    %select_n3A = arith.select %eq3A_3, %iota3A, %broadcast_in_dim3A_4 : vector<1024x8xi1>, vector<1024x8xi32>
    %reduce_min3A = arith.constant dense<2147483647> : vector<1024xi32>
    %reduce_min3A_5 = vector.multi_reduction <minsi>, %select_n3A, %reduce_min3A [1] : vector<1024x8xi32> to vector<1024xi32>
    %broadcast_in_dim3A_6 = vector.shape_cast %reduce_min3A_5 : vector<1024xi32> to vector<1024x1xi32>
    %eq3A_7 = vector.broadcast %broadcast_in_dim3A_6 : vector<1024x1xi32> to vector<1024x8xi32>
    %eq3A_8 = arith.cmpi eq, %eq3A_7, %iota3A : vector<1024x8xi32>
    %convert_element_type3A = arith.extui %eq3A_8 : vector<1024x8xi1> to vector<1024x8xi32>
    %convert_element_type3A_9 = arith.sitofp %convert_element_type3A : vector<1024x8xi32> to vector<1024x8xf32>
    %iota3A_10 = tpu.iota {dimensions = array<i32: 0>} : vector<1024x1024xi32>
    %iota3A_11 = tpu.iota {dimensions = array<i32: 1>} : vector<1024x1024xi32>
    %lt3A = arith.cmpi slt, %iota3A_11, %iota3A_10 : vector<1024x1024xi32>
    %convert_element_type3A_12 = arith.extui %lt3A : vector<1024x1024xi1> to vector<1024x1024xi32>
    %convert_element_type3A_13 = arith.sitofp %convert_element_type3A_12 : vector<1024x1024xi32> to vector<1024x1024xf32>
    %dot_general3A = arith.constant dense<0.000000e+00> : vector<1024x8xf32>
    %dot_general3A_14 = tpu.matmul %convert_element_type3A_13, %convert_element_type3A_9, %dot_general3A {dimension_numbers = #tpu.dot_dimension_numbers<[1], [0], [0], [1], [0, 0, 1, 1], [], []>, precision = #tpu.contract_precision<fp32>, transpose_lhs_hint = false} : vector<1024x1024xf32>, vector<1024x8xf32>, vector<1024x8xf32> -> vector<1024x8xf32>
    %mul3A = arith.mulf %dot_general3A_14, %convert_element_type3A_9 : vector<1024x8xf32>
    %reduce_sum3A = arith.constant dense<0.000000e+00> : vector<1024xf32>
    %reduce_sum3A_15 = vector.multi_reduction <add>, %mul3A, %reduce_sum3A [1] : vector<1024x8xf32> to vector<1024xf32>
    %broadcast_in_dim3A_16 = vector.shape_cast %reduce_sum3A_15 : vector<1024xf32> to vector<1024x1xf32>
    %reduce_sum3A_17 = arith.constant dense<0.000000e+00> : vector<8xf32>
    %reduce_sum3A_18 = vector.multi_reduction <add>, %convert_element_type3A_9, %reduce_sum3A_17 [0] : vector<1024x8xf32> to vector<8xf32>
    %broadcast_in_dim3A_19 = vector.shape_cast %reduce_sum3A_18 : vector<8xf32> to vector<1x8xf32>
    %div3A = arith.constant 3.200000e+01 : f32
    %div3A_20 = vector.broadcast %div3A : f32 to vector<1x8xf32>
    %div3A_21 = arith.divf %broadcast_in_dim3A_19, %div3A_20 : vector<1x8xf32>
    %ceil3A = math.ceil %div3A_21 : vector<1x8xf32>
    %mul3A_22 = arith.constant 3.200000e+01 : f32
    %mul3A_23 = vector.broadcast %mul3A_22 : f32 to vector<1x8xf32>
    %mul3A_24 = arith.mulf %ceil3A, %mul3A_23 : vector<1x8xf32>
    %iota3A_25 = tpu.iota {dimensions = array<i32: 0>} : vector<8x8xi32>
    %iota3A_26 = tpu.iota {dimensions = array<i32: 1>} : vector<8x8xi32>
    %lt3A_27 = arith.cmpi slt, %iota3A_25, %iota3A_26 : vector<8x8xi32>
    %convert_element_type3A_28 = arith.extui %lt3A_27 : vector<8x8xi1> to vector<8x8xi32>
    %convert_element_type3A_29 = arith.sitofp %convert_element_type3A_28 : vector<8x8xi32> to vector<8x8xf32>
    %dot_general3A_30 = arith.constant dense<0.000000e+00> : vector<1x8xf32>
    %dot_general3A_31 = tpu.matmul %mul3A_24, %convert_element_type3A_29, %dot_general3A_30 {dimension_numbers = #tpu.dot_dimension_numbers<[1], [0], [0], [1], [0, 0, 1, 1], [], []>, precision = #tpu.contract_precision<fp32>, transpose_lhs_hint = false} : vector<1x8xf32>, vector<8x8xf32>, vector<1x8xf32> -> vector<1x8xf32>
    %mul3A_32 = vector.broadcast %dot_general3A_31 : vector<1x8xf32> to vector<1024x8xf32>
    %mul3A_33 = arith.mulf %convert_element_type3A_9, %mul3A_32 : vector<1024x8xf32>
    %reduce_sum3A_34 = arith.constant dense<0.000000e+00> : vector<1024xf32>
    %reduce_sum3A_35 = vector.multi_reduction <add>, %mul3A_33, %reduce_sum3A_34 [1] : vector<1024x8xf32> to vector<1024xf32>
    %broadcast_in_dim3A_36 = vector.shape_cast %reduce_sum3A_35 : vector<1024xf32> to vector<1024x1xf32>
    %add3A = arith.addf %broadcast_in_dim3A_36, %broadcast_in_dim3A_16 : vector<1024x1xf32>
    %convert_element_type3A_37 = arith.fptosi %add3A : vector<1024x1xf32> to vector<1024x1xi32>
    %swap3A = arith.constant 0 : index
    %swap3A_38 = arith.constant 0 : index
    %swap3A_39 = vector.load %arg1[%swap3A, %swap3A_38] : memref<1024x1xi32, #tpu.memory_space<vmem>>, vector<1024x1xi32>
    tpu.vector_store %arg1[%swap3A, %swap3A_38], %convert_element_type3A_37 {strides = array<i32>} : memref<1024x1xi32, #tpu.memory_space<vmem>>, vector<1024x1xi32>,
    %iota3A_40 = tpu.iota {dimensions = array<i32: 0>} : vector<41x8xi32>
    %mul3A_41 = arith.constant 32 : i32
    %mul3A_42 = vector.broadcast %mul3A_41 : i32 to vector<41x8xi32>
    %mul3A_43 = arith.muli %iota3A_40, %mul3A_42 : vector<41x8xi32>
    %convert_element_type3A_44 = arith.sitofp %mul3A_43 : vector<41x8xi32> to vector<41x8xf32>
    %ge3A = vector.broadcast %dot_general3A_31 : vector<1x8xf32> to vector<41x8xf32>
    %ge3A_45 = arith.cmpf oge, %convert_element_type3A_44, %ge3A : vector<41x8xf32>
    %add3A_46 = arith.addf %dot_general3A_31, %mul3A_24 : vector<1x8xf32>
    %lt3A_47 = vector.broadcast %add3A_46 : vector<1x8xf32> to vector<41x8xf32>
    %lt3A_48 = arith.cmpf olt, %convert_element_type3A_44, %lt3A_47 : vector<41x8xf32>
    %and3A = arith.andi %ge3A_45, %lt3A_48 : vector<41x8xi1>
    %iota3A_49 = tpu.iota {dimensions = array<i32: 1>} : vector<41x8xi32>
    %jit3A_50 = arith.constant 0 : i32
    %broadcast_in_dim3A_51 = vector.broadcast %jit3A_50 : i32 to vector<41x8xi32>
    %select_n3A_52 = arith.select %and3A, %iota3A_49, %broadcast_in_dim3A_51 : vector<41x8xi1>, vector<41x8xi32>
    %reduce_sum3A_53 = arith.constant dense<0> : vector<41xi32>
    %reduce_sum3A_54 = vector.multi_reduction <add>, %select_n3A_52, %reduce_sum3A_53 [1] : vector<41x8xi32> to vector<41xi32>
    %broadcast_in_dim3A_55 = vector.shape_cast %reduce_sum3A_54 : vector<41xi32> to vector<41x1xi32>
    %reduce_sum3A_56 = vector.shape_cast %mul3A_24 : vector<1x8xf32> to vector<1x1x8xf32>
    %reduce_sum3A_57 = arith.constant dense<0.000000e+00> : vector<1xf32>
    %reduce_sum3A_58 = vector.multi_reduction <add>, %reduce_sum3A_56, %reduce_sum3A_57 [1, 2] : vector<1x1x8xf32> to vector<1xf32>
    %reduce_sum3A_59 = vector.shape_cast %reduce_sum3A_58 : vector<1xf32> to vector<1x1x1xf32>
    %reduce_sum3A_60 = vector.extract %reduce_sum3A_59[0, 0, 0] : f32 from vector<1x1x1xf32>
    %mul3A_61 = arith.constant 3.125000e-02 : f32
    %mul3A_62 = arith.mulf %reduce_sum3A_60, %mul3A_61 : f32
    %convert_element_type3A_63 = arith.fptosi %mul3A_62 : f32 to i32
    %slice3A = vector.extract_strided_slice %iota3A_40 {offsets = [0, 0], sizes = [41, 1], strides = [1, 1]} : vector<41x8xi32> to vector<41x1xi32>
    %eq3A_64 = arith.constant 40 : i32
    %eq3A_65 = vector.broadcast %eq3A_64 : i32 to vector<41x1xi32>
    %eq3A_66 = arith.cmpi eq, %slice3A, %eq3A_65 : vector<41x1xi32>
    %jit3A_67 = arith.constant 0 : i32
    %broadcast_in_dim3A_68 = vector.broadcast %convert_element_type3A_63 : i32 to vector<41x1xi32>
    %broadcast_in_dim3A_69 = vector.broadcast %jit3A_67 : i32 to vector<41x1xi32>
    %select_n3A_70 = arith.select %eq3A_66, %broadcast_in_dim3A_68, %broadcast_in_dim3A_69 : vector<41x1xi1>, vector<41x1xi32>
    %add3A_71 = arith.addi %broadcast_in_dim3A_55, %select_n3A_70 : vector<41x1xi32>
    %swap3A_72 = arith.constant 0 : index
    %swap3A_73 = arith.constant 0 : index
    %swap3A_74 = vector.load %arg2[%swap3A_72, %swap3A_73] : memref<41x1xi32, #tpu.memory_space<vmem>>, vector<41x1xi32>
    tpu.vector_store %arg2[%swap3A_72, %swap3A_73], %add3A_71 {strides = array<i32>} : memref<41x1xi32, #tpu.memory_space<vmem>>, vector<41x1xi32>,
    return
  }
}

module attributes {stable_mosaic.version = 14 : i64} {
  func.func @_invert_kern(%arg0: memref<1x1024xi32, #tpu.memory_space<vmem>>, %arg1: memref<1280x1xi32, #tpu.memory_space<vmem>>) attributes {dimension_semantics = [], scalar_prefetch = 0 : i64, scratch_operands = 0 : i64, tpu.core_type = #tpu.core_type<tc>} {
    %iota3A = tpu.iota {dimensions = array<i32: 0>} : vector<1280x1024xi32>
    %get3A = arith.constant 0 : index
    %get3A_0 = arith.constant 0 : index
    %get3A_1 = vector.load %arg0[%get3A, %get3A_0] : memref<1x1024xi32, #tpu.memory_space<vmem>>, vector<1x1024xi32>
    %eq3A = vector.broadcast %get3A_1 : vector<1x1024xi32> to vector<1280x1024xi32>
    %eq3A_2 = arith.cmpi eq, %iota3A, %eq3A : vector<1280x1024xi32>
    %convert_element_type3A = arith.extui %eq3A_2 : vector<1280x1024xi1> to vector<1280x1024xi32>
    %convert_element_type3A_3 = arith.sitofp %convert_element_type3A : vector<1280x1024xi32> to vector<1280x1024xf32>
    %iota3A_4 = tpu.iota {dimensions = array<i32: 0>} : vector<1024x1xi32>
    %convert_element_type3A_5 = arith.sitofp %iota3A_4 : vector<1024x1xi32> to vector<1024x1xf32>
    %reduce_sum3A = arith.constant dense<0.000000e+00> : vector<1280xf32>
    %reduce_sum3A_6 = vector.multi_reduction <add>, %convert_element_type3A_3, %reduce_sum3A [1] : vector<1280x1024xf32> to vector<1280xf32>
    %broadcast_in_dim3A = vector.shape_cast %reduce_sum3A_6 : vector<1280xf32> to vector<1280x1xf32>
    %dot_general3A = arith.constant dense<0.000000e+00> : vector<1280x1xf32>
    %dot_general3A_7 = tpu.matmul %convert_element_type3A_3, %convert_element_type3A_5, %dot_general3A {dimension_numbers = #tpu.dot_dimension_numbers<[1], [0], [0], [1], [0, 0, 1, 1], [], []>, precision = #tpu.contract_precision<fp32>, transpose_lhs_hint = false} : vector<1280x1024xf32>, vector<1024x1xf32>, vector<1280x1xf32> -> vector<1280x1xf32>
    %sub3A = arith.constant 1.000000e+00 : f32
    %sub3A_8 = vector.broadcast %sub3A : f32 to vector<1280x1xf32>
    %sub3A_9 = arith.subf %sub3A_8, %broadcast_in_dim3A : vector<1280x1xf32>
    %mul3A = arith.constant 1.024000e+03 : f32
    %mul3A_10 = vector.broadcast %mul3A : f32 to vector<1280x1xf32>
    %mul3A_11 = arith.mulf %sub3A_9, %mul3A_10 : vector<1280x1xf32>
    %add3A = arith.addf %dot_general3A_7, %mul3A_11 : vector<1280x1xf32>
    %convert_element_type3A_12 = arith.fptosi %add3A : vector<1280x1xf32> to vector<1280x1xi32>
    %swap3A = arith.constant 0 : index
    %swap3A_13 = arith.constant 0 : index
    %swap3A_14 = vector.load %arg1[%swap3A, %swap3A_13] : memref<1280x1xi32, #tpu.memory_space<vmem>>, vector<1280x1xi32>
    tpu.vector_store %arg1[%swap3A, %swap3A_13], %convert_element_type3A_12 {strides = array<i32>} : memref<1280x1xi32, #tpu.memory_space<vmem>>, vector<1280x1xi32>,
    return
  }
}

module attributes {stable_mosaic.version = 14 : i64} {
  func.func @_blend_kern(%arg0: memref<8x24xf32, #tpu.memory_space<vmem>>, %arg1: memref<24x9216xf32, #tpu.memory_space<vmem>>, %arg2: memref<24x192xf32, #tpu.memory_space<vmem>>, %arg3: memref<24x192xf32, #tpu.memory_space<vmem>>, %arg4: memref<24x12480xf32, #tpu.memory_space<vmem>>, %arg5: memref<24x192xf32, #tpu.memory_space<vmem>>, %arg6: memref<24x192xf32, #tpu.memory_space<vmem>>, %arg7: memref<24x110592xf32, #tpu.memory_space<vmem>>, %arg8: memref<24x576xf32, #tpu.memory_space<vmem>>, %arg9: memref<24x36864xf32, #tpu.memory_space<vmem>>, %arg10: memref<24x192xf32, #tpu.memory_space<vmem>>, %arg11: memref<24x192xf32, #tpu.memory_space<vmem>>, %arg12: memref<24x192xf32, #tpu.memory_space<vmem>>, %arg13: memref<24x147456xf32, #tpu.memory_space<vmem>>, %arg14: memref<8x9216xf32, #tpu.memory_space<vmem>>, %arg15: memref<8x192xf32, #tpu.memory_space<vmem>>, %arg16: memref<8x192xf32, #tpu.memory_space<vmem>>, %arg17: memref<8x12480xf32, #tpu.memory_space<vmem>>, %arg18: memref<8x192xf32, #tpu.memory_space<vmem>>, %arg19: memref<8x192xf32, #tpu.memory_space<vmem>>, %arg20: memref<8x110592xf32, #tpu.memory_space<vmem>>, %arg21: memref<8x576xf32, #tpu.memory_space<vmem>>, %arg22: memref<8x36864xf32, #tpu.memory_space<vmem>>, %arg23: memref<8x192xf32, #tpu.memory_space<vmem>>, %arg24: memref<8x192xf32, #tpu.memory_space<vmem>>, %arg25: memref<8x192xf32, #tpu.memory_space<vmem>>, %arg26: memref<8x147456xf32, #tpu.memory_space<vmem>>) attributes {dimension_semantics = [], scalar_prefetch = 0 : i64, scratch_operands = 0 : i64, tpu.core_type = #tpu.core_type<tc>} {
    %get3A = arith.constant 0 : index
    %get3A_0 = arith.constant 0 : index
    %get3A_1 = vector.load %arg0[%get3A, %get3A_0] : memref<8x24xf32, #tpu.memory_space<vmem>>, vector<8x24xf32>
    %get3A_2 = arith.constant 0 : index
    %get3A_3 = arith.constant 0 : index
    %get3A_4 = vector.load %arg1[%get3A_2, %get3A_3] : memref<24x9216xf32, #tpu.memory_space<vmem>>, vector<24x9216xf32>
    %dot_general3A = arith.constant dense<0.000000e+00> : vector<8x9216xf32>
    %dot_general3A_5 = tpu.matmul %get3A_1, %get3A_4, %dot_general3A {dimension_numbers = #tpu.dot_dimension_numbers<[1], [0], [0], [1], [0, 0, 1, 1], [], []>, transpose_lhs_hint = false} : vector<8x24xf32>, vector<24x9216xf32>, vector<8x9216xf32> -> vector<8x9216xf32>
    %swap3A = arith.constant 0 : index
    %swap3A_6 = arith.constant 0 : index
    %swap3A_7 = vector.load %arg14[%swap3A, %swap3A_6] : memref<8x9216xf32, #tpu.memory_space<vmem>>, vector<8x9216xf32>
    tpu.vector_store %arg14[%swap3A, %swap3A_6], %dot_general3A_5 {strides = array<i32>} : memref<8x9216xf32, #tpu.memory_space<vmem>>, vector<8x9216xf32>,
    %get3A_8 = arith.constant 0 : index
    %get3A_9 = arith.constant 0 : index
    %get3A_10 = vector.load %arg2[%get3A_8, %get3A_9] : memref<24x192xf32, #tpu.memory_space<vmem>>, vector<24x192xf32>
    %dot_general3A_11 = arith.constant dense<0.000000e+00> : vector<8x192xf32>
    %dot_general3A_12 = tpu.matmul %get3A_1, %get3A_10, %dot_general3A_11 {dimension_numbers = #tpu.dot_dimension_numbers<[1], [0], [0], [1], [0, 0, 1, 1], [], []>, transpose_lhs_hint = false} : vector<8x24xf32>, vector<24x192xf32>, vector<8x192xf32> -> vector<8x192xf32>
    %swap3A_13 = arith.constant 0 : index
    %swap3A_14 = arith.constant 0 : index
    %swap3A_15 = vector.load %arg15[%swap3A_13, %swap3A_14] : memref<8x192xf32, #tpu.memory_space<vmem>>, vector<8x192xf32>
    tpu.vector_store %arg15[%swap3A_13, %swap3A_14], %dot_general3A_12 {strides = array<i32>} : memref<8x192xf32, #tpu.memory_space<vmem>>, vector<8x192xf32>,
    %get3A_16 = arith.constant 0 : index
    %get3A_17 = arith.constant 0 : index
    %get3A_18 = vector.load %arg3[%get3A_16, %get3A_17] : memref<24x192xf32, #tpu.memory_space<vmem>>, vector<24x192xf32>
    %dot_general3A_19 = arith.constant dense<0.000000e+00> : vector<8x192xf32>
    %dot_general3A_20 = tpu.matmul %get3A_1, %get3A_18, %dot_general3A_19 {dimension_numbers = #tpu.dot_dimension_numbers<[1], [0], [0], [1], [0, 0, 1, 1], [], []>, transpose_lhs_hint = false} : vector<8x24xf32>, vector<24x192xf32>, vector<8x192xf32> -> vector<8x192xf32>
    %swap3A_21 = arith.constant 0 : index
    %swap3A_22 = arith.constant 0 : index
    %swap3A_23 = vector.load %arg16[%swap3A_21, %swap3A_22] : memref<8x192xf32, #tpu.memory_space<vmem>>, vector<8x192xf32>
    tpu.vector_store %arg16[%swap3A_21, %swap3A_22], %dot_general3A_20 {strides = array<i32>} : memref<8x192xf32, #tpu.memory_space<vmem>>, vector<8x192xf32>,
    %get3A_24 = arith.constant 0 : index
    %get3A_25 = arith.constant 0 : index
    %get3A_26 = vector.load %arg4[%get3A_24, %get3A_25] : memref<24x12480xf32, #tpu.memory_space<vmem>>, vector<24x12480xf32>
    %dot_general3A_27 = arith.constant dense<0.000000e+00> : vector<8x12480xf32>
    %dot_general3A_28 = tpu.matmul %get3A_1, %get3A_26, %dot_general3A_27 {dimension_numbers = #tpu.dot_dimension_numbers<[1], [0], [0], [1], [0, 0, 1, 1], [], []>, transpose_lhs_hint = false} : vector<8x24xf32>, vector<24x12480xf32>, vector<8x12480xf32> -> vector<8x12480xf32>
    %swap3A_29 = arith.constant 0 : index
    %swap3A_30 = arith.constant 0 : index
    %swap3A_31 = vector.load %arg17[%swap3A_29, %swap3A_30] : memref<8x12480xf32, #tpu.memory_space<vmem>>, vector<8x12480xf32>
    tpu.vector_store %arg17[%swap3A_29, %swap3A_30], %dot_general3A_28 {strides = array<i32>} : memref<8x12480xf32, #tpu.memory_space<vmem>>, vector<8x12480xf32>,
    %get3A_32 = arith.constant 0 : index
    %get3A_33 = arith.constant 0 : index
    %get3A_34 = vector.load %arg5[%get3A_32, %get3A_33] : memref<24x192xf32, #tpu.memory_space<vmem>>, vector<24x192xf32>
    %dot_general3A_35 = arith.constant dense<0.000000e+00> : vector<8x192xf32>
    %dot_general3A_36 = tpu.matmul %get3A_1, %get3A_34, %dot_general3A_35 {dimension_numbers = #tpu.dot_dimension_numbers<[1], [0], [0], [1], [0, 0, 1, 1], [], []>, transpose_lhs_hint = false} : vector<8x24xf32>, vector<24x192xf32>, vector<8x192xf32> -> vector<8x192xf32>
    %swap3A_37 = arith.constant 0 : index
    %swap3A_38 = arith.constant 0 : index
    %swap3A_39 = vector.load %arg18[%swap3A_37, %swap3A_38] : memref<8x192xf32, #tpu.memory_space<vmem>>, vector<8x192xf32>
    tpu.vector_store %arg18[%swap3A_37, %swap3A_38], %dot_general3A_36 {strides = array<i32>} : memref<8x192xf32, #tpu.memory_space<vmem>>, vector<8x192xf32>,
    %get3A_40 = arith.constant 0 : index
    %get3A_41 = arith.constant 0 : index
    %get3A_42 = vector.load %arg6[%get3A_40, %get3A_41] : memref<24x192xf32, #tpu.memory_space<vmem>>, vector<24x192xf32>
    %dot_general3A_43 = arith.constant dense<0.000000e+00> : vector<8x192xf32>
    %dot_general3A_44 = tpu.matmul %get3A_1, %get3A_42, %dot_general3A_43 {dimension_numbers = #tpu.dot_dimension_numbers<[1], [0], [0], [1], [0, 0, 1, 1], [], []>, transpose_lhs_hint = false} : vector<8x24xf32>, vector<24x192xf32>, vector<8x192xf32> -> vector<8x192xf32>
    %swap3A_45 = arith.constant 0 : index
    %swap3A_46 = arith.constant 0 : index
    %swap3A_47 = vector.load %arg19[%swap3A_45, %swap3A_46] : memref<8x192xf32, #tpu.memory_space<vmem>>, vector<8x192xf32>
    tpu.vector_store %arg19[%swap3A_45, %swap3A_46], %dot_general3A_44 {strides = array<i32>} : memref<8x192xf32, #tpu.memory_space<vmem>>, vector<8x192xf32>,
    %get3A_48 = arith.constant 0 : index
    %get3A_49 = arith.constant 0 : index
    %get3A_50 = vector.load %arg7[%get3A_48, %get3A_49] : memref<24x110592xf32, #tpu.memory_space<vmem>>, vector<24x110592xf32>
    %dot_general3A_51 = arith.constant dense<0.000000e+00> : vector<8x110592xf32>
    %dot_general3A_52 = tpu.matmul %get3A_1, %get3A_50, %dot_general3A_51 {dimension_numbers = #tpu.dot_dimension_numbers<[1], [0], [0], [1], [0, 0, 1, 1], [], []>, transpose_lhs_hint = false} : vector<8x24xf32>, vector<24x110592xf32>, vector<8x110592xf32> -> vector<8x110592xf32>
    %swap3A_53 = arith.constant 0 : index
    %swap3A_54 = arith.constant 0 : index
    %swap3A_55 = vector.load %arg20[%swap3A_53, %swap3A_54] : memref<8x110592xf32, #tpu.memory_space<vmem>>, vector<8x110592xf32>
    tpu.vector_store %arg20[%swap3A_53, %swap3A_54], %dot_general3A_52 {strides = array<i32>} : memref<8x110592xf32, #tpu.memory_space<vmem>>, vector<8x110592xf32>,
    %get3A_56 = arith.constant 0 : index
    %get3A_57 = arith.constant 0 : index
    %get3A_58 = vector.load %arg8[%get3A_56, %get3A_57] : memref<24x576xf32, #tpu.memory_space<vmem>>, vector<24x576xf32>
    %dot_general3A_59 = arith.constant dense<0.000000e+00> : vector<8x576xf32>
    %dot_general3A_60 = tpu.matmul %get3A_1, %get3A_58, %dot_general3A_59 {dimension_numbers = #tpu.dot_dimension_numbers<[1], [0], [0], [1], [0, 0, 1, 1], [], []>, transpose_lhs_hint = false} : vector<8x24xf32>, vector<24x576xf32>, vector<8x576xf32> -> vector<8x576xf32>
    %swap3A_61 = arith.constant 0 : index
    %swap3A_62 = arith.constant 0 : index
    %swap3A_63 = vector.load %arg21[%swap3A_61, %swap3A_62] : memref<8x576xf32, #tpu.memory_space<vmem>>, vector<8x576xf32>
    tpu.vector_store %arg21[%swap3A_61, %swap3A_62], %dot_general3A_60 {strides = array<i32>} : memref<8x576xf32, #tpu.memory_space<vmem>>, vector<8x576xf32>,
    %get3A_64 = arith.constant 0 : index
    %get3A_65 = arith.constant 0 : index
    %get3A_66 = vector.load %arg9[%get3A_64, %get3A_65] : memref<24x36864xf32, #tpu.memory_space<vmem>>, vector<24x36864xf32>
    %dot_general3A_67 = arith.constant dense<0.000000e+00> : vector<8x36864xf32>
    %dot_general3A_68 = tpu.matmul %get3A_1, %get3A_66, %dot_general3A_67 {dimension_numbers = #tpu.dot_dimension_numbers<[1], [0], [0], [1], [0, 0, 1, 1], [], []>, transpose_lhs_hint = false} : vector<8x24xf32>, vector<24x36864xf32>, vector<8x36864xf32> -> vector<8x36864xf32>
    %swap3A_69 = arith.constant 0 : index
    %swap3A_70 = arith.constant 0 : index
    %swap3A_71 = vector.load %arg22[%swap3A_69, %swap3A_70] : memref<8x36864xf32, #tpu.memory_space<vmem>>, vector<8x36864xf32>
    tpu.vector_store %arg22[%swap3A_69, %swap3A_70], %dot_general3A_68 {strides = array<i32>} : memref<8x36864xf32, #tpu.memory_space<vmem>>, vector<8x36864xf32>,
    %get3A_72 = arith.constant 0 : index
    %get3A_73 = arith.constant 0 : index
    %get3A_74 = vector.load %arg10[%get3A_72, %get3A_73] : memref<24x192xf32, #tpu.memory_space<vmem>>, vector<24x192xf32>
    %dot_general3A_75 = arith.constant dense<0.000000e+00> : vector<8x192xf32>
    %dot_general3A_76 = tpu.matmul %get3A_1, %get3A_74, %dot_general3A_75 {dimension_numbers = #tpu.dot_dimension_numbers<[1], [0], [0], [1], [0, 0, 1, 1], [], []>, transpose_lhs_hint = false} : vector<8x24xf32>, vector<24x192xf32>, vector<8x192xf32> -> vector<8x192xf32>
    %swap3A_77 = arith.constant 0 : index
    %swap3A_78 = arith.constant 0 : index
    %swap3A_79 = vector.load %arg23[%swap3A_77, %swap3A_78] : memref<8x192xf32, #tpu.memory_space<vmem>>, vector<8x192xf32>
    tpu.vector_store %arg23[%swap3A_77, %swap3A_78], %dot_general3A_76 {strides = array<i32>} : memref<8x192xf32, #tpu.memory_space<vmem>>, vector<8x192xf32>,
    %get3A_80 = arith.constant 0 : index
    %get3A_81 = arith.constant 0 : index
    %get3A_82 = vector.load %arg11[%get3A_80, %get3A_81] : memref<24x192xf32, #tpu.memory_space<vmem>>, vector<24x192xf32>
    %dot_general3A_83 = arith.constant dense<0.000000e+00> : vector<8x192xf32>
    %dot_general3A_84 = tpu.matmul %get3A_1, %get3A_82, %dot_general3A_83 {dimension_numbers = #tpu.dot_dimension_numbers<[1], [0], [0], [1], [0, 0, 1, 1], [], []>, transpose_lhs_hint = false} : vector<8x24xf32>, vector<24x192xf32>, vector<8x192xf32> -> vector<8x192xf32>
    %swap3A_85 = arith.constant 0 : index
    %swap3A_86 = arith.constant 0 : index
    %swap3A_87 = vector.load %arg24[%swap3A_85, %swap3A_86] : memref<8x192xf32, #tpu.memory_space<vmem>>, vector<8x192xf32>
    tpu.vector_store %arg24[%swap3A_85, %swap3A_86], %dot_general3A_84 {strides = array<i32>} : memref<8x192xf32, #tpu.memory_space<vmem>>, vector<8x192xf32>,
    %get3A_88 = arith.constant 0 : index
    %get3A_89 = arith.constant 0 : index
    %get3A_90 = vector.load %arg12[%get3A_88, %get3A_89] : memref<24x192xf32, #tpu.memory_space<vmem>>, vector<24x192xf32>
    %dot_general3A_91 = arith.constant dense<0.000000e+00> : vector<8x192xf32>
    %dot_general3A_92 = tpu.matmul %get3A_1, %get3A_90, %dot_general3A_91 {dimension_numbers = #tpu.dot_dimension_numbers<[1], [0], [0], [1], [0, 0, 1, 1], [], []>, transpose_lhs_hint = false} : vector<8x24xf32>, vector<24x192xf32>, vector<8x192xf32> -> vector<8x192xf32>
    %swap3A_93 = arith.constant 0 : index
    %swap3A_94 = arith.constant 0 : index
    %swap3A_95 = vector.load %arg25[%swap3A_93, %swap3A_94] : memref<8x192xf32, #tpu.memory_space<vmem>>, vector<8x192xf32>
    tpu.vector_store %arg25[%swap3A_93, %swap3A_94], %dot_general3A_92 {strides = array<i32>} : memref<8x192xf32, #tpu.memory_space<vmem>>, vector<8x192xf32>,
    %get3A_96 = arith.constant 0 : index
    %get3A_97 = arith.constant 0 : index
    %get3A_98 = vector.load %arg13[%get3A_96, %get3A_97] : memref<24x147456xf32, #tpu.memory_space<vmem>>, vector<24x147456xf32>
    %dot_general3A_99 = arith.constant dense<0.000000e+00> : vector<8x147456xf32>
    %dot_general3A_100 = tpu.matmul %get3A_1, %get3A_98, %dot_general3A_99 {dimension_numbers = #tpu.dot_dimension_numbers<[1], [0], [0], [1], [0, 0, 1, 1], [], []>, transpose_lhs_hint = false} : vector<8x24xf32>, vector<24x147456xf32>, vector<8x147456xf32> -> vector<8x147456xf32>
    %swap3A_101 = arith.constant 0 : index
    %swap3A_102 = arith.constant 0 : index
    %swap3A_103 = vector.load %arg26[%swap3A_101, %swap3A_102] : memref<8x147456xf32, #tpu.memory_space<vmem>>, vector<8x147456xf32>
    tpu.vector_store %arg26[%swap3A_101, %swap3A_102], %dot_general3A_100 {strides = array<i32>} : memref<8x147456xf32, #tpu.memory_space<vmem>>, vector<8x147456xf32>,
    return
  }
}

module attributes {stable_mosaic.version = 14 : i64} {
  func.func @_blend_kern(%arg0: memref<8x24xf32, #tpu.memory_space<vmem>>, %arg1: memref<24x768xf32, #tpu.memory_space<vmem>>, %arg2: memref<24x147456xf32, #tpu.memory_space<vmem>>, %arg3: memref<24x192xf32, #tpu.memory_space<vmem>>, %arg4: memref<24x192xf32, #tpu.memory_space<vmem>>, %arg5: memref<24x192xf32, #tpu.memory_space<vmem>>, %arg6: memref<24x19200xf32, #tpu.memory_space<vmem>>, %arg7: memref<24x100xf32, #tpu.memory_space<vmem>>, %arg8: memref<8x768xf32, #tpu.memory_space<vmem>>, %arg9: memref<8x147456xf32, #tpu.memory_space<vmem>>, %arg10: memref<8x192xf32, #tpu.memory_space<vmem>>, %arg11: memref<8x192xf32, #tpu.memory_space<vmem>>, %arg12: memref<8x192xf32, #tpu.memory_space<vmem>>, %arg13: memref<8x19200xf32, #tpu.memory_space<vmem>>, %arg14: memref<8x100xf32, #tpu.memory_space<vmem>>) attributes {dimension_semantics = [], scalar_prefetch = 0 : i64, scratch_operands = 0 : i64, tpu.core_type = #tpu.core_type<tc>} {
    %get3A = arith.constant 0 : index
    %get3A_0 = arith.constant 0 : index
    %get3A_1 = vector.load %arg0[%get3A, %get3A_0] : memref<8x24xf32, #tpu.memory_space<vmem>>, vector<8x24xf32>
    %get3A_2 = arith.constant 0 : index
    %get3A_3 = arith.constant 0 : index
    %get3A_4 = vector.load %arg1[%get3A_2, %get3A_3] : memref<24x768xf32, #tpu.memory_space<vmem>>, vector<24x768xf32>
    %dot_general3A = arith.constant dense<0.000000e+00> : vector<8x768xf32>
    %dot_general3A_5 = tpu.matmul %get3A_1, %get3A_4, %dot_general3A {dimension_numbers = #tpu.dot_dimension_numbers<[1], [0], [0], [1], [0, 0, 1, 1], [], []>, transpose_lhs_hint = false} : vector<8x24xf32>, vector<24x768xf32>, vector<8x768xf32> -> vector<8x768xf32>
    %swap3A = arith.constant 0 : index
    %swap3A_6 = arith.constant 0 : index
    %swap3A_7 = vector.load %arg8[%swap3A, %swap3A_6] : memref<8x768xf32, #tpu.memory_space<vmem>>, vector<8x768xf32>
    tpu.vector_store %arg8[%swap3A, %swap3A_6], %dot_general3A_5 {strides = array<i32>} : memref<8x768xf32, #tpu.memory_space<vmem>>, vector<8x768xf32>,
    %get3A_8 = arith.constant 0 : index
    %get3A_9 = arith.constant 0 : index
    %get3A_10 = vector.load %arg2[%get3A_8, %get3A_9] : memref<24x147456xf32, #tpu.memory_space<vmem>>, vector<24x147456xf32>
    %dot_general3A_11 = arith.constant dense<0.000000e+00> : vector<8x147456xf32>
    %dot_general3A_12 = tpu.matmul %get3A_1, %get3A_10, %dot_general3A_11 {dimension_numbers = #tpu.dot_dimension_numbers<[1], [0], [0], [1], [0, 0, 1, 1], [], []>, transpose_lhs_hint = false} : vector<8x24xf32>, vector<24x147456xf32>, vector<8x147456xf32> -> vector<8x147456xf32>
    %swap3A_13 = arith.constant 0 : index
    %swap3A_14 = arith.constant 0 : index
    %swap3A_15 = vector.load %arg9[%swap3A_13, %swap3A_14] : memref<8x147456xf32, #tpu.memory_space<vmem>>, vector<8x147456xf32>
    tpu.vector_store %arg9[%swap3A_13, %swap3A_14], %dot_general3A_12 {strides = array<i32>} : memref<8x147456xf32, #tpu.memory_space<vmem>>, vector<8x147456xf32>,
    %get3A_16 = arith.constant 0 : index
    %get3A_17 = arith.constant 0 : index
    %get3A_18 = vector.load %arg3[%get3A_16, %get3A_17] : memref<24x192xf32, #tpu.memory_space<vmem>>, vector<24x192xf32>
    %dot_general3A_19 = arith.constant dense<0.000000e+00> : vector<8x192xf32>
    %dot_general3A_20 = tpu.matmul %get3A_1, %get3A_18, %dot_general3A_19 {dimension_numbers = #tpu.dot_dimension_numbers<[1], [0], [0], [1], [0, 0, 1, 1], [], []>, transpose_lhs_hint = false} : vector<8x24xf32>, vector<24x192xf32>, vector<8x192xf32> -> vector<8x192xf32>
    %swap3A_21 = arith.constant 0 : index
    %swap3A_22 = arith.constant 0 : index
    %swap3A_23 = vector.load %arg10[%swap3A_21, %swap3A_22] : memref<8x192xf32, #tpu.memory_space<vmem>>, vector<8x192xf32>
    tpu.vector_store %arg10[%swap3A_21, %swap3A_22], %dot_general3A_20 {strides = array<i32>} : memref<8x192xf32, #tpu.memory_space<vmem>>, vector<8x192xf32>,
    %get3A_24 = arith.constant 0 : index
    %get3A_25 = arith.constant 0 : index
    %get3A_26 = vector.load %arg4[%get3A_24, %get3A_25] : memref<24x192xf32, #tpu.memory_space<vmem>>, vector<24x192xf32>
    %dot_general3A_27 = arith.constant dense<0.000000e+00> : vector<8x192xf32>
    %dot_general3A_28 = tpu.matmul %get3A_1, %get3A_26, %dot_general3A_27 {dimension_numbers = #tpu.dot_dimension_numbers<[1], [0], [0], [1], [0, 0, 1, 1], [], []>, transpose_lhs_hint = false} : vector<8x24xf32>, vector<24x192xf32>, vector<8x192xf32> -> vector<8x192xf32>
    %swap3A_29 = arith.constant 0 : index
    %swap3A_30 = arith.constant 0 : index
    %swap3A_31 = vector.load %arg11[%swap3A_29, %swap3A_30] : memref<8x192xf32, #tpu.memory_space<vmem>>, vector<8x192xf32>
    tpu.vector_store %arg11[%swap3A_29, %swap3A_30], %dot_general3A_28 {strides = array<i32>} : memref<8x192xf32, #tpu.memory_space<vmem>>, vector<8x192xf32>,
    %get3A_32 = arith.constant 0 : index
    %get3A_33 = arith.constant 0 : index
    %get3A_34 = vector.load %arg5[%get3A_32, %get3A_33] : memref<24x192xf32, #tpu.memory_space<vmem>>, vector<24x192xf32>
    %dot_general3A_35 = arith.constant dense<0.000000e+00> : vector<8x192xf32>
    %dot_general3A_36 = tpu.matmul %get3A_1, %get3A_34, %dot_general3A_35 {dimension_numbers = #tpu.dot_dimension_numbers<[1], [0], [0], [1], [0, 0, 1, 1], [], []>, transpose_lhs_hint = false} : vector<8x24xf32>, vector<24x192xf32>, vector<8x192xf32> -> vector<8x192xf32>
    %swap3A_37 = arith.constant 0 : index
    %swap3A_38 = arith.constant 0 : index
    %swap3A_39 = vector.load %arg12[%swap3A_37, %swap3A_38] : memref<8x192xf32, #tpu.memory_space<vmem>>, vector<8x192xf32>
    tpu.vector_store %arg12[%swap3A_37, %swap3A_38], %dot_general3A_36 {strides = array<i32>} : memref<8x192xf32, #tpu.memory_space<vmem>>, vector<8x192xf32>,
    %get3A_40 = arith.constant 0 : index
    %get3A_41 = arith.constant 0 : index
    %get3A_42 = vector.load %arg6[%get3A_40, %get3A_41] : memref<24x19200xf32, #tpu.memory_space<vmem>>, vector<24x19200xf32>
    %dot_general3A_43 = arith.constant dense<0.000000e+00> : vector<8x19200xf32>
    %dot_general3A_44 = tpu.matmul %get3A_1, %get3A_42, %dot_general3A_43 {dimension_numbers = #tpu.dot_dimension_numbers<[1], [0], [0], [1], [0, 0, 1, 1], [], []>, transpose_lhs_hint = false} : vector<8x24xf32>, vector<24x19200xf32>, vector<8x19200xf32> -> vector<8x19200xf32>
    %swap3A_45 = arith.constant 0 : index
    %swap3A_46 = arith.constant 0 : index
    %swap3A_47 = vector.load %arg13[%swap3A_45, %swap3A_46] : memref<8x19200xf32, #tpu.memory_space<vmem>>, vector<8x19200xf32>
    tpu.vector_store %arg13[%swap3A_45, %swap3A_46], %dot_general3A_44 {strides = array<i32>} : memref<8x19200xf32, #tpu.memory_space<vmem>>, vector<8x19200xf32>,
    %get3A_48 = arith.constant 0 : index
    %get3A_49 = arith.constant 0 : index
    %get3A_50 = vector.load %arg7[%get3A_48, %get3A_49] : memref<24x100xf32, #tpu.memory_space<vmem>>, vector<24x100xf32>
    %dot_general3A_51 = arith.constant dense<0.000000e+00> : vector<8x100xf32>
    %dot_general3A_52 = tpu.matmul %get3A_1, %get3A_50, %dot_general3A_51 {dimension_numbers = #tpu.dot_dimension_numbers<[1], [0], [0], [1], [0, 0, 1, 1], [], []>, transpose_lhs_hint = false} : vector<8x24xf32>, vector<24x100xf32>, vector<8x100xf32> -> vector<8x100xf32>
    %swap3A_53 = arith.constant 0 : index
    %swap3A_54 = arith.constant 0 : index
    %swap3A_55 = vector.load %arg14[%swap3A_53, %swap3A_54] : memref<8x100xf32, #tpu.memory_space<vmem>>, vector<8x100xf32>
    tpu.vector_store %arg14[%swap3A_53, %swap3A_54], %dot_general3A_52 {strides = array<i32>} : memref<8x100xf32, #tpu.memory_space<vmem>>, vector<8x100xf32>,
    return
  }
}

module attributes {stable_mosaic.version = 14 : i64} {
  func.func @_expert_kern(%arg0: i32, %arg1: memref<41xi32, #tpu.memory_space<smem>>, %arg2: memref<2304x64xf32, #tpu.memory_space<vmem>>, %arg3: memref<1x64x192xf32, #tpu.memory_space<vmem>>, %arg4: memref<1x72x192xf32, #tpu.memory_space<vmem>>, %arg5: memref<1x2x192xf32, #tpu.memory_space<vmem>>, %arg6: memref<1x192x576xf32, #tpu.memory_space<vmem>>, %arg7: memref<1x1x576xf32, #tpu.memory_space<vmem>>, %arg8: memref<1x3x64x192xf32, #tpu.memory_space<vmem>>, %arg9: memref<1x1x192xf32, #tpu.memory_space<vmem>>, %arg10: memref<1x2x192xf32, #tpu.memory_space<vmem>>, %arg11: memref<1x192x768xf32, #tpu.memory_space<vmem>>, %arg12: memref<1x1x768xf32, #tpu.memory_space<vmem>>, %arg13: memref<1x768x192xf32, #tpu.memory_space<vmem>>, %arg14: memref<1x1x192xf32, #tpu.memory_space<vmem>>, %arg15: memref<1x2x192xf32, #tpu.memory_space<vmem>>, %arg16: memref<1x192x128xf32, #tpu.memory_space<vmem>>, %arg17: memref<1x1x128xf32, #tpu.memory_space<vmem>>, %arg18: memref<32x128xf32, #tpu.memory_space<vmem>>) attributes {dimension_semantics = [#tpu.dimension_semantics<arbitrary>], iteration_bounds = array<i64: 40>, scalar_prefetch = 1 : i64, scratch_operands = 0 : i64, tpu.core_type = #tpu.core_type<tc>, window_params = [{transform_indices = @transform_0, window_bounds = array<i64: 2304, 64>}, {transform_indices = @transform_1, window_bounds = array<i64: 1, 64, 192>}, {transform_indices = @transform_2, window_bounds = array<i64: 1, 72, 192>}, {transform_indices = @transform_3, window_bounds = array<i64: 1, 2, 192>}, {transform_indices = @transform_4, window_bounds = array<i64: 1, 192, 576>}, {transform_indices = @transform_5, window_bounds = array<i64: 1, 1, 576>}, {transform_indices = @transform_6, window_bounds = array<i64: 1, 3, 64, 192>}, {transform_indices = @transform_7, window_bounds = array<i64: 1, 1, 192>}, {transform_indices = @transform_8, window_bounds = array<i64: 1, 2, 192>}, {transform_indices = @transform_9, window_bounds = array<i64: 1, 192, 768>}, {transform_indices = @transform_10, window_bounds = array<i64: 1, 1, 768>}, {transform_indices = @transform_11, window_bounds = array<i64: 1, 768, 192>}, {transform_indices = @transform_12, window_bounds = array<i64: 1, 1, 192>}, {transform_indices = @transform_13, window_bounds = array<i64: 1, 2, 192>}, {transform_indices = @transform_14, window_bounds = array<i64: 1, 192, 128>}, {transform_indices = @transform_15, window_bounds = array<i64: 1, 1, 128>}, {transform_indices = @transform_16, window_bounds = array<i64: 32, 128>}]} {
    %get3A = arith.constant 40 : index
    %get3A_0 = memref.load %arg1[%get3A] : memref<41xi32, #tpu.memory_space<smem>>
    %lt3A = arith.cmpi slt, %arg0, %get3A_0 : i32
    %convert_element_type3A = arith.extui %lt3A : i1 to i32
    %cond3A = arith.constant 0 : i32
    %cond3A_1 = arith.cmpi ne, %convert_element_type3A, %cond3A : i32
    scf.if %cond3A_1 {
      %get3A_2 = arith.constant 0 : index
      %get3A_3 = arith.constant 0 : index
      %get3A_4 = vector.load %arg2[%get3A_2, %get3A_3] : memref<2304x64xf32, #tpu.memory_space<vmem>>, vector<2304x64xf32>
      %get3A_5 = arith.constant 0 : index
      %get3A_6 = arith.constant 0 : index
      %get3A_7 = arith.constant 0 : index
      %get3A_8 = vector.load %arg3[%get3A_5, %get3A_6, %get3A_7] : memref<1x64x192xf32, #tpu.memory_space<vmem>>, vector<1x64x192xf32>
      %get3A_9 = vector.shape_cast %get3A_8 : vector<1x64x192xf32> to vector<64x192xf32>
      %dot_general3A = arith.constant dense<0.000000e+00> : vector<2304x192xf32>
      %dot_general3A_10 = tpu.matmul %get3A_4, %get3A_9, %dot_general3A {dimension_numbers = #tpu.dot_dimension_numbers<[1], [0], [0], [1], [0, 0, 1, 1], [], []>, transpose_lhs_hint = false} : vector<2304x64xf32>, vector<64x192xf32>, vector<2304x192xf32> -> vector<2304x192xf32>
      %reshape3A = vector.shape_cast %dot_general3A_10 : vector<2304x192xf32> to vector<32x72x192xf32>
      %get3A_11 = arith.constant 0 : index
      %get3A_12 = arith.constant 0 : index
      %get3A_13 = arith.constant 0 : index
      %get3A_14 = vector.load %arg4[%get3A_11, %get3A_12, %get3A_13] : memref<1x72x192xf32, #tpu.memory_space<vmem>>, vector<1x72x192xf32>
      %get3A_15 = vector.shape_cast %get3A_14 : vector<1x72x192xf32> to vector<72x192xf32>
      %broadcast_in_dim3A = vector.shape_cast %get3A_15 : vector<72x192xf32> to vector<1x72x192xf32>
      %add3A = vector.broadcast %broadcast_in_dim3A : vector<1x72x192xf32> to vector<32x72x192xf32>
      %add3A_16 = arith.addf %reshape3A, %add3A : vector<32x72x192xf32>
      %get3A_17 = arith.constant 0 : index
      %get3A_18 = arith.constant 0 : index
      %get3A_19 = arith.constant 0 : index
      %get3A_20 = vector.load %arg5[%get3A_17, %get3A_18, %get3A_19] : memref<1x2x192xf32, #tpu.memory_space<vmem>>, vector<1x1x192xf32>
      %get3A_21 = vector.shape_cast %get3A_20 : vector<1x1x192xf32> to vector<1x192xf32>
      %get3A_22 = arith.constant 0 : index
      %get3A_23 = arith.constant 1 : index
      %get3A_24 = arith.constant 0 : index
      %get3A_25 = vector.load %arg5[%get3A_22, %get3A_23, %get3A_24] : memref<1x2x192xf32, #tpu.memory_space<vmem>>, vector<1x1x192xf32>
      %get3A_26 = vector.shape_cast %get3A_25 : vector<1x1x192xf32> to vector<1x192xf32>
      %reduce_sum3A = arith.constant dense<0.000000e+00> : vector<32x72xf32>
      %reduce_sum3A_27 = vector.multi_reduction <add>, %add3A_16, %reduce_sum3A [2] : vector<32x72x192xf32> to vector<32x72xf32>
      %broadcast_in_dim3A_28 = vector.shape_cast %reduce_sum3A_27 : vector<32x72xf32> to vector<32x72x1xf32>
      %div3A = arith.constant 1.920000e+02 : f32
      %div3A_29 = vector.broadcast %div3A : f32 to vector<32x72x1xf32>
      %div3A_30 = arith.divf %broadcast_in_dim3A_28, %div3A_29 : vector<32x72x1xf32>
      %sub3A = vector.broadcast %div3A_30 : vector<32x72x1xf32> to vector<32x72x192xf32>
      %sub3A_31 = arith.subf %add3A_16, %sub3A : vector<32x72x192xf32>
      %integer_pow3A = arith.mulf %sub3A_31, %sub3A_31 : vector<32x72x192xf32>
      %reduce_sum3A_32 = arith.constant dense<0.000000e+00> : vector<32x72xf32>
      %reduce_sum3A_33 = vector.multi_reduction <add>, %integer_pow3A, %reduce_sum3A_32 [2] : vector<32x72x192xf32> to vector<32x72xf32>
      %broadcast_in_dim3A_34 = vector.shape_cast %reduce_sum3A_33 : vector<32x72xf32> to vector<32x72x1xf32>
      %div3A_35 = arith.constant 1.920000e+02 : f32
      %div3A_36 = vector.broadcast %div3A_35 : f32 to vector<32x72x1xf32>
      %div3A_37 = arith.divf %broadcast_in_dim3A_34, %div3A_36 : vector<32x72x1xf32>
      %sub3A_38 = vector.broadcast %div3A_30 : vector<32x72x1xf32> to vector<32x72x192xf32>
      %sub3A_39 = arith.subf %add3A_16, %sub3A_38 : vector<32x72x192xf32>
      %add3A_40 = arith.constant 9.99999997E-7 : f32
      %add3A_41 = vector.broadcast %add3A_40 : f32 to vector<32x72x1xf32>
      %add3A_42 = arith.addf %div3A_37, %add3A_41 : vector<32x72x1xf32>
      %sqrt3A = math.sqrt %add3A_42 : vector<32x72x1xf32>
      %div3A_43 = vector.broadcast %sqrt3A : vector<32x72x1xf32> to vector<32x72x192xf32>
      %div3A_44 = arith.divf %sub3A_39, %div3A_43 : vector<32x72x192xf32>
      %broadcast_in_dim3A_45 = vector.shape_cast %get3A_21 : vector<1x192xf32> to vector<1x1x192xf32>
      %mul3A = vector.broadcast %broadcast_in_dim3A_45 : vector<1x1x192xf32> to vector<32x72x192xf32>
      %mul3A_46 = arith.mulf %div3A_44, %mul3A : vector<32x72x192xf32>
      %broadcast_in_dim3A_47 = vector.shape_cast %get3A_26 : vector<1x192xf32> to vector<1x1x192xf32>
      %add3A_48 = vector.broadcast %broadcast_in_dim3A_47 : vector<1x1x192xf32> to vector<32x72x192xf32>
      %add3A_49 = arith.addf %mul3A_46, %add3A_48 : vector<32x72x192xf32>
      %reshape3A_50 = vector.shape_cast %add3A_49 : vector<32x72x192xf32> to vector<2304x192xf32>
      %get3A_51 = arith.constant 0 : index
      %get3A_52 = arith.constant 0 : index
      %get3A_53 = arith.constant 0 : index
      %get3A_54 = vector.load %arg6[%get3A_51, %get3A_52, %get3A_53] : memref<1x192x576xf32, #tpu.memory_space<vmem>>, vector<1x192x576xf32>
      %get3A_55 = vector.shape_cast %get3A_54 : vector<1x192x576xf32> to vector<192x576xf32>
      %dot_general3A_56 = arith.constant dense<0.000000e+00> : vector<2304x576xf32>
      %dot_general3A_57 = tpu.matmul %reshape3A_50, %get3A_55, %dot_general3A_56 {dimension_numbers = #tpu.dot_dimension_numbers<[1], [0], [0], [1], [0, 0, 1, 1], [], []>, transpose_lhs_hint = false} : vector<2304x192xf32>, vector<192x576xf32>, vector<2304x576xf32> -> vector<2304x576xf32>
      %get3A_58 = arith.constant 0 : index
      %get3A_59 = arith.constant 0 : index
      %get3A_60 = arith.constant 0 : index
      %get3A_61 = vector.load %arg7[%get3A_58, %get3A_59, %get3A_60] : memref<1x1x576xf32, #tpu.memory_space<vmem>>, vector<1x1x576xf32>
      %get3A_62 = vector.shape_cast %get3A_61 : vector<1x1x576xf32> to vector<1x576xf32>
      %add3A_63 = vector.broadcast %get3A_62 : vector<1x576xf32> to vector<2304x576xf32>
      %add3A_64 = arith.addf %dot_general3A_57, %add3A_63 : vector<2304x576xf32>
      %iota3A = tpu.iota {dimensions = array<i32: 2>} : vector<1x1x72xi32>
      %lt3A_65 = arith.constant 65 : i32
      %lt3A_66 = vector.broadcast %lt3A_65 : i32 to vector<1x1x72xi32>
      %lt3A_67 = arith.cmpi slt, %iota3A, %lt3A_66 : vector<1x1x72xi32>
      %broadcast_in_dim3A_68 = arith.constant 0.000000e+00 : f32
      %broadcast_in_dim3A_69 = vector.broadcast %broadcast_in_dim3A_68 : f32 to vector<2304x192xf32>
      %slice3A = vector.extract_strided_slice %add3A_64 {offsets = [0, 0], sizes = [2304, 64], strides = [1, 1]} : vector<2304x576xf32> to vector<2304x64xf32>
      %reshape3A_70 = vector.shape_cast %slice3A : vector<2304x64xf32> to vector<32x72x64xf32>
      %slice3A_71 = vector.extract_strided_slice %add3A_64 {offsets = [0, 192], sizes = [2304, 64], strides = [1, 1]} : vector<2304x576xf32> to vector<2304x64xf32>
      %reshape3A_72 = vector.shape_cast %slice3A_71 : vector<2304x64xf32> to vector<32x72x64xf32>
      %slice3A_73 = vector.extract_strided_slice %add3A_64 {offsets = [0, 384], sizes = [2304, 64], strides = [1, 1]} : vector<2304x576xf32> to vector<2304x64xf32>
      %reshape3A_74 = vector.shape_cast %slice3A_73 : vector<2304x64xf32> to vector<32x72x64xf32>
      %dot_general3A_75 = arith.constant dense<0.000000e+00> : vector<32x72x72xf32>
      %dot_general3A_76 = tpu.matmul %reshape3A_70, %reshape3A_72, %dot_general3A_75 {dimension_numbers = #tpu.dot_dimension_numbers<[2], [2], [1], [1], [0, 0, 0, 1, 1, 1], [0], [0]>, transpose_lhs_hint = false} : vector<32x72x64xf32>, vector<32x72x64xf32>, vector<32x72x72xf32> -> vector<32x72x72xf32>
      %mul3A_77 = arith.constant 1.250000e-01 : f32
      %mul3A_78 = vector.broadcast %mul3A_77 : f32 to vector<32x72x72xf32>
      %mul3A_79 = arith.mulf %dot_general3A_76, %mul3A_78 : vector<32x72x72xf32>
      %jit3A = arith.constant -1.000000e+09 : f32
      %broadcast_in_dim3A_80 = vector.shape_cast %lt3A_67 : vector<1x1x72xi1> to vector<1x1x72xi1>
      %broadcast_in_dim3A_81 = vector.broadcast %broadcast_in_dim3A_80 : vector<1x1x72xi1> to vector<32x72x72xi1>
      %broadcast_in_dim3A_82 = vector.broadcast %jit3A : f32 to vector<32x72x72xf32>
      %select_n3A = arith.select %broadcast_in_dim3A_81, %mul3A_79, %broadcast_in_dim3A_82 : vector<32x72x72xi1>, vector<32x72x72xf32>
      %reduce_max3A = arith.constant dense<0xFF800000> : vector<32x72xf32>
      %reduce_max3A_83 = vector.multi_reduction <maximumf>, %select_n3A, %reduce_max3A [2] : vector<32x72x72xf32> to vector<32x72xf32>
      %max3A = arith.constant 0xFF800000 : f32
      %max3A_84 = vector.broadcast %max3A : f32 to vector<32x72xf32>
      %max3A_85 = arith.maximumf %max3A_84, %reduce_max3A_83 : vector<32x72xf32>
      %broadcast_in_dim3A_86 = vector.shape_cast %max3A_85 : vector<32x72xf32> to vector<32x72x1xf32>
      %sub3A_87 = vector.broadcast %broadcast_in_dim3A_86 : vector<32x72x1xf32> to vector<32x72x72xf32>
      %sub3A_88 = arith.subf %select_n3A, %sub3A_87 : vector<32x72x72xf32>
      %exp3A = math.exp %sub3A_88 : vector<32x72x72xf32>
      %reduce_sum3A_89 = arith.constant dense<0.000000e+00> : vector<32x72xf32>
      %reduce_sum3A_90 = vector.multi_reduction <add>, %exp3A, %reduce_sum3A_89 [2] : vector<32x72x72xf32> to vector<32x72xf32>
      %broadcast_in_dim3A_91 = vector.shape_cast %reduce_sum3A_90 : vector<32x72xf32> to vector<32x72x1xf32>
      %div3A_92 = vector.broadcast %broadcast_in_dim3A_91 : vector<32x72x1xf32> to vector<32x72x72xf32>
      %div3A_93 = arith.divf %exp3A, %div3A_92 : vector<32x72x72xf32>
      %dot_general3A_94 = arith.constant dense<0.000000e+00> : vector<32x72x64xf32>
      %dot_general3A_95 = tpu.matmul %div3A_93, %reshape3A_74, %dot_general3A_94 {dimension_numbers = #tpu.dot_dimension_numbers<[2], [1], [1], [2], [0, 0, 0, 1, 1, 2], [0], [0]>, transpose_lhs_hint = false} : vector<32x72x72xf32>, vector<32x72x64xf32>, vector<32x72x64xf32> -> vector<32x72x64xf32>
      %reshape3A_96 = vector.shape_cast %dot_general3A_95 : vector<32x72x64xf32> to vector<2304x64xf32>
      %get3A_97 = arith.constant 0 : index
      %get3A_98 = arith.constant 0 : index
      %get3A_99 = arith.constant 0 : index
      %get3A_100 = arith.constant 0 : index
      %get3A_101 = vector.load %arg8[%get3A_97, %get3A_98, %get3A_99, %get3A_100] : memref<1x3x64x192xf32, #tpu.memory_space<vmem>>, vector<1x1x64x192xf32>
      %get3A_102 = vector.shape_cast %get3A_101 : vector<1x1x64x192xf32> to vector<64x192xf32>
      %dot_general3A_103 = arith.constant dense<0.000000e+00> : vector<2304x192xf32>
      %dot_general3A_104 = tpu.matmul %reshape3A_96, %get3A_102, %dot_general3A_103 {dimension_numbers = #tpu.dot_dimension_numbers<[1], [0], [0], [1], [0, 0, 1, 1], [], []>, transpose_lhs_hint = false} : vector<2304x64xf32>, vector<64x192xf32>, vector<2304x192xf32> -> vector<2304x192xf32>
      %add3A_105 = arith.addf %broadcast_in_dim3A_69, %dot_general3A_104 : vector<2304x192xf32>
      %slice3A_106 = vector.extract_strided_slice %add3A_64 {offsets = [0, 64], sizes = [2304, 64], strides = [1, 1]} : vector<2304x576xf32> to vector<2304x64xf32>
      %reshape3A_107 = vector.shape_cast %slice3A_106 : vector<2304x64xf32> to vector<32x72x64xf32>
      %slice3A_108 = vector.extract_strided_slice %add3A_64 {offsets = [0, 256], sizes = [2304, 64], strides = [1, 1]} : vector<2304x576xf32> to vector<2304x64xf32>
      %reshape3A_109 = vector.shape_cast %slice3A_108 : vector<2304x64xf32> to vector<32x72x64xf32>
      %slice3A_110 = vector.extract_strided_slice %add3A_64 {offsets = [0, 448], sizes = [2304, 64], strides = [1, 1]} : vector<2304x576xf32> to vector<2304x64xf32>
      %reshape3A_111 = vector.shape_cast %slice3A_110 : vector<2304x64xf32> to vector<32x72x64xf32>
      %dot_general3A_112 = arith.constant dense<0.000000e+00> : vector<32x72x72xf32>
      %dot_general3A_113 = tpu.matmul %reshape3A_107, %reshape3A_109, %dot_general3A_112 {dimension_numbers = #tpu.dot_dimension_numbers<[2], [2], [1], [1], [0, 0, 0, 1, 1, 1], [0], [0]>, transpose_lhs_hint = false} : vector<32x72x64xf32>, vector<32x72x64xf32>, vector<32x72x72xf32> -> vector<32x72x72xf32>
      %mul3A_114 = arith.constant 1.250000e-01 : f32
      %mul3A_115 = vector.broadcast %mul3A_114 : f32 to vector<32x72x72xf32>
      %mul3A_116 = arith.mulf %dot_general3A_113, %mul3A_115 : vector<32x72x72xf32>
      %jit3A_117 = arith.constant -1.000000e+09 : f32
      %broadcast_in_dim3A_118 = vector.shape_cast %lt3A_67 : vector<1x1x72xi1> to vector<1x1x72xi1>
      %broadcast_in_dim3A_119 = vector.broadcast %broadcast_in_dim3A_118 : vector<1x1x72xi1> to vector<32x72x72xi1>
      %broadcast_in_dim3A_120 = vector.broadcast %jit3A_117 : f32 to vector<32x72x72xf32>
      %select_n3A_121 = arith.select %broadcast_in_dim3A_119, %mul3A_116, %broadcast_in_dim3A_120 : vector<32x72x72xi1>, vector<32x72x72xf32>
      %reduce_max3A_122 = arith.constant dense<0xFF800000> : vector<32x72xf32>
      %reduce_max3A_123 = vector.multi_reduction <maximumf>, %select_n3A_121, %reduce_max3A_122 [2] : vector<32x72x72xf32> to vector<32x72xf32>
      %max3A_124 = arith.constant 0xFF800000 : f32
      %max3A_125 = vector.broadcast %max3A_124 : f32 to vector<32x72xf32>
      %max3A_126 = arith.maximumf %max3A_125, %reduce_max3A_123 : vector<32x72xf32>
      %broadcast_in_dim3A_127 = vector.shape_cast %max3A_126 : vector<32x72xf32> to vector<32x72x1xf32>
      %sub3A_128 = vector.broadcast %broadcast_in_dim3A_127 : vector<32x72x1xf32> to vector<32x72x72xf32>
      %sub3A_129 = arith.subf %select_n3A_121, %sub3A_128 : vector<32x72x72xf32>
      %exp3A_130 = math.exp %sub3A_129 : vector<32x72x72xf32>
      %reduce_sum3A_131 = arith.constant dense<0.000000e+00> : vector<32x72xf32>
      %reduce_sum3A_132 = vector.multi_reduction <add>, %exp3A_130, %reduce_sum3A_131 [2] : vector<32x72x72xf32> to vector<32x72xf32>
      %broadcast_in_dim3A_133 = vector.shape_cast %reduce_sum3A_132 : vector<32x72xf32> to vector<32x72x1xf32>
      %div3A_134 = vector.broadcast %broadcast_in_dim3A_133 : vector<32x72x1xf32> to vector<32x72x72xf32>
      %div3A_135 = arith.divf %exp3A_130, %div3A_134 : vector<32x72x72xf32>
      %dot_general3A_136 = arith.constant dense<0.000000e+00> : vector<32x72x64xf32>
      %dot_general3A_137 = tpu.matmul %div3A_135, %reshape3A_111, %dot_general3A_136 {dimension_numbers = #tpu.dot_dimension_numbers<[2], [1], [1], [2], [0, 0, 0, 1, 1, 2], [0], [0]>, transpose_lhs_hint = false} : vector<32x72x72xf32>, vector<32x72x64xf32>, vector<32x72x64xf32> -> vector<32x72x64xf32>
      %reshape3A_138 = vector.shape_cast %dot_general3A_137 : vector<32x72x64xf32> to vector<2304x64xf32>
      %get3A_139 = arith.constant 0 : index
      %get3A_140 = arith.constant 1 : index
      %get3A_141 = arith.constant 0 : index
      %get3A_142 = arith.constant 0 : index
      %get3A_143 = vector.load %arg8[%get3A_139, %get3A_140, %get3A_141, %get3A_142] : memref<1x3x64x192xf32, #tpu.memory_space<vmem>>, vector<1x1x64x192xf32>
      %get3A_144 = vector.shape_cast %get3A_143 : vector<1x1x64x192xf32> to vector<64x192xf32>
      %dot_general3A_145 = arith.constant dense<0.000000e+00> : vector<2304x192xf32>
      %dot_general3A_146 = tpu.matmul %reshape3A_138, %get3A_144, %dot_general3A_145 {dimension_numbers = #tpu.dot_dimension_numbers<[1], [0], [0], [1], [0, 0, 1, 1], [], []>, transpose_lhs_hint = false} : vector<2304x64xf32>, vector<64x192xf32>, vector<2304x192xf32> -> vector<2304x192xf32>
      %add3A_147 = arith.addf %add3A_105, %dot_general3A_146 : vector<2304x192xf32>
      %slice3A_148 = vector.extract_strided_slice %add3A_64 {offsets = [0, 128], sizes = [2304, 64], strides = [1, 1]} : vector<2304x576xf32> to vector<2304x64xf32>
      %reshape3A_149 = vector.shape_cast %slice3A_148 : vector<2304x64xf32> to vector<32x72x64xf32>
      %slice3A_150 = vector.extract_strided_slice %add3A_64 {offsets = [0, 320], sizes = [2304, 64], strides = [1, 1]} : vector<2304x576xf32> to vector<2304x64xf32>
      %reshape3A_151 = vector.shape_cast %slice3A_150 : vector<2304x64xf32> to vector<32x72x64xf32>
      %slice3A_152 = vector.extract_strided_slice %add3A_64 {offsets = [0, 512], sizes = [2304, 64], strides = [1, 1]} : vector<2304x576xf32> to vector<2304x64xf32>
      %reshape3A_153 = vector.shape_cast %slice3A_152 : vector<2304x64xf32> to vector<32x72x64xf32>
      %dot_general3A_154 = arith.constant dense<0.000000e+00> : vector<32x72x72xf32>
      %dot_general3A_155 = tpu.matmul %reshape3A_149, %reshape3A_151, %dot_general3A_154 {dimension_numbers = #tpu.dot_dimension_numbers<[2], [2], [1], [1], [0, 0, 0, 1, 1, 1], [0], [0]>, transpose_lhs_hint = false} : vector<32x72x64xf32>, vector<32x72x64xf32>, vector<32x72x72xf32> -> vector<32x72x72xf32>
      %mul3A_156 = arith.constant 1.250000e-01 : f32
      %mul3A_157 = vector.broadcast %mul3A_156 : f32 to vector<32x72x72xf32>
      %mul3A_158 = arith.mulf %dot_general3A_155, %mul3A_157 : vector<32x72x72xf32>
      %jit3A_159 = arith.constant -1.000000e+09 : f32
      %broadcast_in_dim3A_160 = vector.shape_cast %lt3A_67 : vector<1x1x72xi1> to vector<1x1x72xi1>
      %broadcast_in_dim3A_161 = vector.broadcast %broadcast_in_dim3A_160 : vector<1x1x72xi1> to vector<32x72x72xi1>
      %broadcast_in_dim3A_162 = vector.broadcast %jit3A_159 : f32 to vector<32x72x72xf32>
      %select_n3A_163 = arith.select %broadcast_in_dim3A_161, %mul3A_158, %broadcast_in_dim3A_162 : vector<32x72x72xi1>, vector<32x72x72xf32>
      %reduce_max3A_164 = arith.constant dense<0xFF800000> : vector<32x72xf32>
      %reduce_max3A_165 = vector.multi_reduction <maximumf>, %select_n3A_163, %reduce_max3A_164 [2] : vector<32x72x72xf32> to vector<32x72xf32>
      %max3A_166 = arith.constant 0xFF800000 : f32
      %max3A_167 = vector.broadcast %max3A_166 : f32 to vector<32x72xf32>
      %max3A_168 = arith.maximumf %max3A_167, %reduce_max3A_165 : vector<32x72xf32>
      %broadcast_in_dim3A_169 = vector.shape_cast %max3A_168 : vector<32x72xf32> to vector<32x72x1xf32>
      %sub3A_170 = vector.broadcast %broadcast_in_dim3A_169 : vector<32x72x1xf32> to vector<32x72x72xf32>
      %sub3A_171 = arith.subf %select_n3A_163, %sub3A_170 : vector<32x72x72xf32>
      %exp3A_172 = math.exp %sub3A_171 : vector<32x72x72xf32>
      %reduce_sum3A_173 = arith.constant dense<0.000000e+00> : vector<32x72xf32>
      %reduce_sum3A_174 = vector.multi_reduction <add>, %exp3A_172, %reduce_sum3A_173 [2] : vector<32x72x72xf32> to vector<32x72xf32>
      %broadcast_in_dim3A_175 = vector.shape_cast %reduce_sum3A_174 : vector<32x72xf32> to vector<32x72x1xf32>
      %div3A_176 = vector.broadcast %broadcast_in_dim3A_175 : vector<32x72x1xf32> to vector<32x72x72xf32>
      %div3A_177 = arith.divf %exp3A_172, %div3A_176 : vector<32x72x72xf32>
      %dot_general3A_178 = arith.constant dense<0.000000e+00> : vector<32x72x64xf32>
      %dot_general3A_179 = tpu.matmul %div3A_177, %reshape3A_153, %dot_general3A_178 {dimension_numbers = #tpu.dot_dimension_numbers<[2], [1], [1], [2], [0, 0, 0, 1, 1, 2], [0], [0]>, transpose_lhs_hint = false} : vector<32x72x72xf32>, vector<32x72x64xf32>, vector<32x72x64xf32> -> vector<32x72x64xf32>
      %reshape3A_180 = vector.shape_cast %dot_general3A_179 : vector<32x72x64xf32> to vector<2304x64xf32>
      %get3A_181 = arith.constant 0 : index
      %get3A_182 = arith.constant 2 : index
      %get3A_183 = arith.constant 0 : index
      %get3A_184 = arith.constant 0 : index
      %get3A_185 = vector.load %arg8[%get3A_181, %get3A_182, %get3A_183, %get3A_184] : memref<1x3x64x192xf32, #tpu.memory_space<vmem>>, vector<1x1x64x192xf32>
      %get3A_186 = vector.shape_cast %get3A_185 : vector<1x1x64x192xf32> to vector<64x192xf32>
      %dot_general3A_187 = arith.constant dense<0.000000e+00> : vector<2304x192xf32>
      %dot_general3A_188 = tpu.matmul %reshape3A_180, %get3A_186, %dot_general3A_187 {dimension_numbers = #tpu.dot_dimension_numbers<[1], [0], [0], [1], [0, 0, 1, 1], [], []>, transpose_lhs_hint = false} : vector<2304x64xf32>, vector<64x192xf32>, vector<2304x192xf32> -> vector<2304x192xf32>
      %add3A_189 = arith.addf %add3A_147, %dot_general3A_188 : vector<2304x192xf32>
      %reshape3A_190 = vector.shape_cast %add3A_189 : vector<2304x192xf32> to vector<32x72x192xf32>
      %add3A_191 = arith.addf %add3A_16, %reshape3A_190 : vector<32x72x192xf32>
      %get3A_192 = arith.constant 0 : index
      %get3A_193 = arith.constant 0 : index
      %get3A_194 = arith.constant 0 : index
      %get3A_195 = vector.load %arg9[%get3A_192, %get3A_193, %get3A_194] : memref<1x1x192xf32, #tpu.memory_space<vmem>>, vector<1x1x192xf32>
      %get3A_196 = vector.shape_cast %get3A_195 : vector<1x1x192xf32> to vector<1x192xf32>
      %broadcast_in_dim3A_197 = vector.shape_cast %get3A_196 : vector<1x192xf32> to vector<1x1x192xf32>
      %add3A_198 = vector.broadcast %broadcast_in_dim3A_197 : vector<1x1x192xf32> to vector<32x72x192xf32>
      %add3A_199 = arith.addf %add3A_191, %add3A_198 : vector<32x72x192xf32>
      %get3A_200 = arith.constant 0 : index
      %get3A_201 = arith.constant 0 : index
      %get3A_202 = arith.constant 0 : index
      %get3A_203 = vector.load %arg10[%get3A_200, %get3A_201, %get3A_202] : memref<1x2x192xf32, #tpu.memory_space<vmem>>, vector<1x1x192xf32>
      %get3A_204 = vector.shape_cast %get3A_203 : vector<1x1x192xf32> to vector<1x192xf32>
      %get3A_205 = arith.constant 0 : index
      %get3A_206 = arith.constant 1 : index
      %get3A_207 = arith.constant 0 : index
      %get3A_208 = vector.load %arg10[%get3A_205, %get3A_206, %get3A_207] : memref<1x2x192xf32, #tpu.memory_space<vmem>>, vector<1x1x192xf32>
      %get3A_209 = vector.shape_cast %get3A_208 : vector<1x1x192xf32> to vector<1x192xf32>
      %reduce_sum3A_210 = arith.constant dense<0.000000e+00> : vector<32x72xf32>
      %reduce_sum3A_211 = vector.multi_reduction <add>, %add3A_199, %reduce_sum3A_210 [2] : vector<32x72x192xf32> to vector<32x72xf32>
      %broadcast_in_dim3A_212 = vector.shape_cast %reduce_sum3A_211 : vector<32x72xf32> to vector<32x72x1xf32>
      %div3A_213 = arith.constant 1.920000e+02 : f32
      %div3A_214 = vector.broadcast %div3A_213 : f32 to vector<32x72x1xf32>
      %div3A_215 = arith.divf %broadcast_in_dim3A_212, %div3A_214 : vector<32x72x1xf32>
      %sub3A_216 = vector.broadcast %div3A_215 : vector<32x72x1xf32> to vector<32x72x192xf32>
      %sub3A_217 = arith.subf %add3A_199, %sub3A_216 : vector<32x72x192xf32>
      %integer_pow3A_218 = arith.mulf %sub3A_217, %sub3A_217 : vector<32x72x192xf32>
      %reduce_sum3A_219 = arith.constant dense<0.000000e+00> : vector<32x72xf32>
      %reduce_sum3A_220 = vector.multi_reduction <add>, %integer_pow3A_218, %reduce_sum3A_219 [2] : vector<32x72x192xf32> to vector<32x72xf32>
      %broadcast_in_dim3A_221 = vector.shape_cast %reduce_sum3A_220 : vector<32x72xf32> to vector<32x72x1xf32>
      %div3A_222 = arith.constant 1.920000e+02 : f32
      %div3A_223 = vector.broadcast %div3A_222 : f32 to vector<32x72x1xf32>
      %div3A_224 = arith.divf %broadcast_in_dim3A_221, %div3A_223 : vector<32x72x1xf32>
      %sub3A_225 = vector.broadcast %div3A_215 : vector<32x72x1xf32> to vector<32x72x192xf32>
      %sub3A_226 = arith.subf %add3A_199, %sub3A_225 : vector<32x72x192xf32>
      %add3A_227 = arith.constant 9.99999997E-7 : f32
      %add3A_228 = vector.broadcast %add3A_227 : f32 to vector<32x72x1xf32>
      %add3A_229 = arith.addf %div3A_224, %add3A_228 : vector<32x72x1xf32>
      %sqrt3A_230 = math.sqrt %add3A_229 : vector<32x72x1xf32>
      %div3A_231 = vector.broadcast %sqrt3A_230 : vector<32x72x1xf32> to vector<32x72x192xf32>
      %div3A_232 = arith.divf %sub3A_226, %div3A_231 : vector<32x72x192xf32>
      %broadcast_in_dim3A_233 = vector.shape_cast %get3A_204 : vector<1x192xf32> to vector<1x1x192xf32>
      %mul3A_234 = vector.broadcast %broadcast_in_dim3A_233 : vector<1x1x192xf32> to vector<32x72x192xf32>
      %mul3A_235 = arith.mulf %div3A_232, %mul3A_234 : vector<32x72x192xf32>
      %broadcast_in_dim3A_236 = vector.shape_cast %get3A_209 : vector<1x192xf32> to vector<1x1x192xf32>
      %add3A_237 = vector.broadcast %broadcast_in_dim3A_236 : vector<1x1x192xf32> to vector<32x72x192xf32>
      %add3A_238 = arith.addf %mul3A_235, %add3A_237 : vector<32x72x192xf32>
      %reshape3A_239 = vector.shape_cast %add3A_238 : vector<32x72x192xf32> to vector<2304x192xf32>
      %get3A_240 = arith.constant 0 : index
      %get3A_241 = arith.constant 0 : index
      %get3A_242 = arith.constant 0 : index
      %get3A_243 = vector.load %arg11[%get3A_240, %get3A_241, %get3A_242] : memref<1x192x768xf32, #tpu.memory_space<vmem>>, vector<1x192x768xf32>
      %get3A_244 = vector.shape_cast %get3A_243 : vector<1x192x768xf32> to vector<192x768xf32>
      %dot_general3A_245 = arith.constant dense<0.000000e+00> : vector<2304x768xf32>
      %dot_general3A_246 = tpu.matmul %reshape3A_239, %get3A_244, %dot_general3A_245 {dimension_numbers = #tpu.dot_dimension_numbers<[1], [0], [0], [1], [0, 0, 1, 1], [], []>, transpose_lhs_hint = false} : vector<2304x192xf32>, vector<192x768xf32>, vector<2304x768xf32> -> vector<2304x768xf32>
      %get3A_247 = arith.constant 0 : index
      %get3A_248 = arith.constant 0 : index
      %get3A_249 = arith.constant 0 : index
      %get3A_250 = vector.load %arg12[%get3A_247, %get3A_248, %get3A_249] : memref<1x1x768xf32, #tpu.memory_space<vmem>>, vector<1x1x768xf32>
      %get3A_251 = vector.shape_cast %get3A_250 : vector<1x1x768xf32> to vector<1x768xf32>
      %add3A_252 = vector.broadcast %get3A_251 : vector<1x768xf32> to vector<2304x768xf32>
      %add3A_253 = arith.addf %dot_general3A_246, %add3A_252 : vector<2304x768xf32>
      %integer_pow3A_254 = arith.mulf %add3A_253, %add3A_253 : vector<2304x768xf32>
      %integer_pow3A_255 = arith.mulf %add3A_253, %integer_pow3A_254 : vector<2304x768xf32>
      %mul3A_256 = arith.constant 4.471500e-02 : f32
      %mul3A_257 = vector.broadcast %mul3A_256 : f32 to vector<2304x768xf32>
      %mul3A_258 = arith.mulf %mul3A_257, %integer_pow3A_255 : vector<2304x768xf32>
      %add3A_259 = arith.addf %add3A_253, %mul3A_258 : vector<2304x768xf32>
      %mul3A_260 = arith.constant 0.797884583 : f32
      %mul3A_261 = vector.broadcast %mul3A_260 : f32 to vector<2304x768xf32>
      %mul3A_262 = arith.mulf %mul3A_261, %add3A_259 : vector<2304x768xf32>
      %tanh3A = math.tanh %mul3A_262 : vector<2304x768xf32>
      %add3A_263 = arith.constant 1.000000e+00 : f32
      %add3A_264 = vector.broadcast %add3A_263 : f32 to vector<2304x768xf32>
      %add3A_265 = arith.addf %add3A_264, %tanh3A : vector<2304x768xf32>
      %mul3A_266 = arith.constant 5.000000e-01 : f32
      %mul3A_267 = vector.broadcast %mul3A_266 : f32 to vector<2304x768xf32>
      %mul3A_268 = arith.mulf %mul3A_267, %add3A_265 : vector<2304x768xf32>
      %mul3A_269 = arith.mulf %add3A_253, %mul3A_268 : vector<2304x768xf32>
      %get3A_270 = arith.constant 0 : index
      %get3A_271 = arith.constant 0 : index
      %get3A_272 = arith.constant 0 : index
      %get3A_273 = vector.load %arg13[%get3A_270, %get3A_271, %get3A_272] : memref<1x768x192xf32, #tpu.memory_space<vmem>>, vector<1x768x192xf32>
      %get3A_274 = vector.shape_cast %get3A_273 : vector<1x768x192xf32> to vector<768x192xf32>
      %dot_general3A_275 = arith.constant dense<0.000000e+00> : vector<2304x192xf32>
      %dot_general3A_276 = tpu.matmul %mul3A_269, %get3A_274, %dot_general3A_275 {dimension_numbers = #tpu.dot_dimension_numbers<[1], [0], [0], [1], [0, 0, 1, 1], [], []>, transpose_lhs_hint = false} : vector<2304x768xf32>, vector<768x192xf32>, vector<2304x192xf32> -> vector<2304x192xf32>
      %get3A_277 = arith.constant 0 : index
      %get3A_278 = arith.constant 0 : index
      %get3A_279 = arith.constant 0 : index
      %get3A_280 = vector.load %arg14[%get3A_277, %get3A_278, %get3A_279] : memref<1x1x192xf32, #tpu.memory_space<vmem>>, vector<1x1x192xf32>
      %get3A_281 = vector.shape_cast %get3A_280 : vector<1x1x192xf32> to vector<1x192xf32>
      %add3A_282 = vector.broadcast %get3A_281 : vector<1x192xf32> to vector<2304x192xf32>
      %add3A_283 = arith.addf %dot_general3A_276, %add3A_282 : vector<2304x192xf32>
      %reshape3A_284 = vector.shape_cast %add3A_283 : vector<2304x192xf32> to vector<32x72x192xf32>
      %add3A_285 = arith.addf %add3A_199, %reshape3A_284 : vector<32x72x192xf32>
      %slice3A_286 = vector.extract_strided_slice %add3A_285 {offsets = [0, 0, 0], sizes = [32, 1, 192], strides = [1, 1, 1]} : vector<32x72x192xf32> to vector<32x1x192xf32>
      %squeeze3A = vector.shape_cast %slice3A_286 : vector<32x1x192xf32> to vector<32x192xf32>
      %get3A_287 = arith.constant 0 : index
      %get3A_288 = arith.constant 0 : index
      %get3A_289 = arith.constant 0 : index
      %get3A_290 = vector.load %arg15[%get3A_287, %get3A_288, %get3A_289] : memref<1x2x192xf32, #tpu.memory_space<vmem>>, vector<1x1x192xf32>
      %get3A_291 = vector.shape_cast %get3A_290 : vector<1x1x192xf32> to vector<1x192xf32>
      %get3A_292 = arith.constant 0 : index
      %get3A_293 = arith.constant 1 : index
      %get3A_294 = arith.constant 0 : index
      %get3A_295 = vector.load %arg15[%get3A_292, %get3A_293, %get3A_294] : memref<1x2x192xf32, #tpu.memory_space<vmem>>, vector<1x1x192xf32>
      %get3A_296 = vector.shape_cast %get3A_295 : vector<1x1x192xf32> to vector<1x192xf32>
      %reduce_sum3A_297 = arith.constant dense<0.000000e+00> : vector<32xf32>
      %reduce_sum3A_298 = vector.multi_reduction <add>, %squeeze3A, %reduce_sum3A_297 [1] : vector<32x192xf32> to vector<32xf32>
      %broadcast_in_dim3A_299 = vector.shape_cast %reduce_sum3A_298 : vector<32xf32> to vector<32x1xf32>
      %div3A_300 = arith.constant 1.920000e+02 : f32
      %div3A_301 = vector.broadcast %div3A_300 : f32 to vector<32x1xf32>
      %div3A_302 = arith.divf %broadcast_in_dim3A_299, %div3A_301 : vector<32x1xf32>
      %sub3A_303 = vector.broadcast %div3A_302 : vector<32x1xf32> to vector<32x192xf32>
      %sub3A_304 = arith.subf %squeeze3A, %sub3A_303 : vector<32x192xf32>
      %integer_pow3A_305 = arith.mulf %sub3A_304, %sub3A_304 : vector<32x192xf32>
      %reduce_sum3A_306 = arith.constant dense<0.000000e+00> : vector<32xf32>
      %reduce_sum3A_307 = vector.multi_reduction <add>, %integer_pow3A_305, %reduce_sum3A_306 [1] : vector<32x192xf32> to vector<32xf32>
      %broadcast_in_dim3A_308 = vector.shape_cast %reduce_sum3A_307 : vector<32xf32> to vector<32x1xf32>
      %div3A_309 = arith.constant 1.920000e+02 : f32
      %div3A_310 = vector.broadcast %div3A_309 : f32 to vector<32x1xf32>
      %div3A_311 = arith.divf %broadcast_in_dim3A_308, %div3A_310 : vector<32x1xf32>
      %sub3A_312 = vector.broadcast %div3A_302 : vector<32x1xf32> to vector<32x192xf32>
      %sub3A_313 = arith.subf %squeeze3A, %sub3A_312 : vector<32x192xf32>
      %add3A_314 = arith.constant 9.99999997E-7 : f32
      %add3A_315 = vector.broadcast %add3A_314 : f32 to vector<32x1xf32>
      %add3A_316 = arith.addf %div3A_311, %add3A_315 : vector<32x1xf32>
      %sqrt3A_317 = math.sqrt %add3A_316 : vector<32x1xf32>
      %div3A_318 = vector.broadcast %sqrt3A_317 : vector<32x1xf32> to vector<32x192xf32>
      %div3A_319 = arith.divf %sub3A_313, %div3A_318 : vector<32x192xf32>
      %mul3A_320 = vector.broadcast %get3A_291 : vector<1x192xf32> to vector<32x192xf32>
      %mul3A_321 = arith.mulf %div3A_319, %mul3A_320 : vector<32x192xf32>
      %add3A_322 = vector.broadcast %get3A_296 : vector<1x192xf32> to vector<32x192xf32>
      %add3A_323 = arith.addf %mul3A_321, %add3A_322 : vector<32x192xf32>
      %get3A_324 = arith.constant 0 : index
      %get3A_325 = arith.constant 0 : index
      %get3A_326 = arith.constant 0 : index
      %get3A_327 = vector.load %arg16[%get3A_324, %get3A_325, %get3A_326] : memref<1x192x128xf32, #tpu.memory_space<vmem>>, vector<1x192x128xf32>
      %get3A_328 = vector.shape_cast %get3A_327 : vector<1x192x128xf32> to vector<192x128xf32>
      %dot_general3A_329 = arith.constant dense<0.000000e+00> : vector<32x128xf32>
      %dot_general3A_330 = tpu.matmul %add3A_323, %get3A_328, %dot_general3A_329 {dimension_numbers = #tpu.dot_dimension_numbers<[1], [0], [0], [1], [0, 0, 1, 1], [], []>, transpose_lhs_hint = false} : vector<32x192xf32>, vector<192x128xf32>, vector<32x128xf32> -> vector<32x128xf32>
      %get3A_331 = arith.constant 0 : index
      %get3A_332 = arith.constant 0 : index
      %get3A_333 = arith.constant 0 : index
      %get3A_334 = vector.load %arg17[%get3A_331, %get3A_332, %get3A_333] : memref<1x1x128xf32, #tpu.memory_space<vmem>>, vector<1x1x128xf32>
      %get3A_335 = vector.shape_cast %get3A_334 : vector<1x1x128xf32> to vector<1x128xf32>
      %add3A_336 = vector.broadcast %get3A_335 : vector<1x128xf32> to vector<32x128xf32>
      %add3A_337 = arith.addf %dot_general3A_330, %add3A_336 : vector<32x128xf32>
      %swap3A = arith.constant 0 : index
      %swap3A_338 = arith.constant 0 : index
      %swap3A_339 = vector.load %arg18[%swap3A, %swap3A_338] : memref<32x128xf32, #tpu.memory_space<vmem>>, vector<32x128xf32>
      tpu.vector_store %arg18[%swap3A, %swap3A_338], %add3A_337 {strides = array<i32>} : memref<32x128xf32, #tpu.memory_space<vmem>>, vector<32x128xf32>,
    } else {
    }
    return
  }
  func.func @transform_0(%arg0: i32, %arg1: memref<41xi32, #tpu.memory_space<smem>>) -> (i32, i32) {
    %c0_i32 = arith.constant 0 : i32
    %c0_i32_0 = arith.constant 0 : i32
    return %arg0, %c0_i32 : i32, i32
  }
  func.func @transform_1(%arg0: i32, %arg1: memref<41xi32, #tpu.memory_space<smem>>) -> (i32, i32, i32) {
    %get3A = arith.index_cast %arg0 : i32 to index
    %get3A_0 = memref.load %arg1[%get3A] : memref<41xi32, #tpu.memory_space<smem>>
    %c0_i32 = arith.constant 0 : i32
    %c0_i32_1 = arith.constant 0 : i32
    %c0_i32_2 = arith.constant 0 : i32
    return %get3A_0, %c0_i32, %c0_i32_1 : i32, i32, i32
  }
  func.func @transform_2(%arg0: i32, %arg1: memref<41xi32, #tpu.memory_space<smem>>) -> (i32, i32, i32) {
    %get3A = arith.index_cast %arg0 : i32 to index
    %get3A_0 = memref.load %arg1[%get3A] : memref<41xi32, #tpu.memory_space<smem>>
    %c0_i32 = arith.constant 0 : i32
    %c0_i32_1 = arith.constant 0 : i32
    %c0_i32_2 = arith.constant 0 : i32
    return %get3A_0, %c0_i32, %c0_i32_1 : i32, i32, i32
  }
  func.func @transform_3(%arg0: i32, %arg1: memref<41xi32, #tpu.memory_space<smem>>) -> (i32, i32, i32) {
    %get3A = arith.index_cast %arg0 : i32 to index
    %get3A_0 = memref.load %arg1[%get3A] : memref<41xi32, #tpu.memory_space<smem>>
    %c0_i32 = arith.constant 0 : i32
    %c0_i32_1 = arith.constant 0 : i32
    %c0_i32_2 = arith.constant 0 : i32
    return %get3A_0, %c0_i32, %c0_i32_1 : i32, i32, i32
  }
  func.func @transform_4(%arg0: i32, %arg1: memref<41xi32, #tpu.memory_space<smem>>) -> (i32, i32, i32) {
    %get3A = arith.index_cast %arg0 : i32 to index
    %get3A_0 = memref.load %arg1[%get3A] : memref<41xi32, #tpu.memory_space<smem>>
    %c0_i32 = arith.constant 0 : i32
    %c0_i32_1 = arith.constant 0 : i32
    %c0_i32_2 = arith.constant 0 : i32
    return %get3A_0, %c0_i32, %c0_i32_1 : i32, i32, i32
  }
  func.func @transform_5(%arg0: i32, %arg1: memref<41xi32, #tpu.memory_space<smem>>) -> (i32, i32, i32) {
    %get3A = arith.index_cast %arg0 : i32 to index
    %get3A_0 = memref.load %arg1[%get3A] : memref<41xi32, #tpu.memory_space<smem>>
    %c0_i32 = arith.constant 0 : i32
    %c0_i32_1 = arith.constant 0 : i32
    %c0_i32_2 = arith.constant 0 : i32
    return %get3A_0, %c0_i32, %c0_i32_1 : i32, i32, i32
  }
  func.func @transform_6(%arg0: i32, %arg1: memref<41xi32, #tpu.memory_space<smem>>) -> (i32, i32, i32, i32) {
    %get3A = arith.index_cast %arg0 : i32 to index
    %get3A_0 = memref.load %arg1[%get3A] : memref<41xi32, #tpu.memory_space<smem>>
    %c0_i32 = arith.constant 0 : i32
    %c0_i32_1 = arith.constant 0 : i32
    %c0_i32_2 = arith.constant 0 : i32
    %c0_i32_3 = arith.constant 0 : i32
    return %get3A_0, %c0_i32, %c0_i32_1, %c0_i32_2 : i32, i32, i32, i32
  }
  func.func @transform_7(%arg0: i32, %arg1: memref<41xi32, #tpu.memory_space<smem>>) -> (i32, i32, i32) {
    %get3A = arith.index_cast %arg0 : i32 to index
    %get3A_0 = memref.load %arg1[%get3A] : memref<41xi32, #tpu.memory_space<smem>>
    %c0_i32 = arith.constant 0 : i32
    %c0_i32_1 = arith.constant 0 : i32
    %c0_i32_2 = arith.constant 0 : i32
    return %get3A_0, %c0_i32, %c0_i32_1 : i32, i32, i32
  }
  func.func @transform_8(%arg0: i32, %arg1: memref<41xi32, #tpu.memory_space<smem>>) -> (i32, i32, i32) {
    %get3A = arith.index_cast %arg0 : i32 to index
    %get3A_0 = memref.load %arg1[%get3A] : memref<41xi32, #tpu.memory_space<smem>>
    %c0_i32 = arith.constant 0 : i32
    %c0_i32_1 = arith.constant 0 : i32
    %c0_i32_2 = arith.constant 0 : i32
    return %get3A_0, %c0_i32, %c0_i32_1 : i32, i32, i32
  }
  func.func @transform_9(%arg0: i32, %arg1: memref<41xi32, #tpu.memory_space<smem>>) -> (i32, i32, i32) {
    %get3A = arith.index_cast %arg0 : i32 to index
    %get3A_0 = memref.load %arg1[%get3A] : memref<41xi32, #tpu.memory_space<smem>>
    %c0_i32 = arith.constant 0 : i32
    %c0_i32_1 = arith.constant 0 : i32
    %c0_i32_2 = arith.constant 0 : i32
    return %get3A_0, %c0_i32, %c0_i32_1 : i32, i32, i32
  }
  func.func @transform_10(%arg0: i32, %arg1: memref<41xi32, #tpu.memory_space<smem>>) -> (i32, i32, i32) {
    %get3A = arith.index_cast %arg0 : i32 to index
    %get3A_0 = memref.load %arg1[%get3A] : memref<41xi32, #tpu.memory_space<smem>>
    %c0_i32 = arith.constant 0 : i32
    %c0_i32_1 = arith.constant 0 : i32
    %c0_i32_2 = arith.constant 0 : i32
    return %get3A_0, %c0_i32, %c0_i32_1 : i32, i32, i32
  }
  func.func @transform_11(%arg0: i32, %arg1: memref<41xi32, #tpu.memory_space<smem>>) -> (i32, i32, i32) {
    %get3A = arith.index_cast %arg0 : i32 to index
    %get3A_0 = memref.load %arg1[%get3A] : memref<41xi32, #tpu.memory_space<smem>>
    %c0_i32 = arith.constant 0 : i32
    %c0_i32_1 = arith.constant 0 : i32
    %c0_i32_2 = arith.constant 0 : i32
    return %get3A_0, %c0_i32, %c0_i32_1 : i32, i32, i32
  }
  func.func @transform_12(%arg0: i32, %arg1: memref<41xi32, #tpu.memory_space<smem>>) -> (i32, i32, i32) {
    %get3A = arith.index_cast %arg0 : i32 to index
    %get3A_0 = memref.load %arg1[%get3A] : memref<41xi32, #tpu.memory_space<smem>>
    %c0_i32 = arith.constant 0 : i32
    %c0_i32_1 = arith.constant 0 : i32
    %c0_i32_2 = arith.constant 0 : i32
    return %get3A_0, %c0_i32, %c0_i32_1 : i32, i32, i32
  }
  func.func @transform_13(%arg0: i32, %arg1: memref<41xi32, #tpu.memory_space<smem>>) -> (i32, i32, i32) {
    %get3A = arith.index_cast %arg0 : i32 to index
    %get3A_0 = memref.load %arg1[%get3A] : memref<41xi32, #tpu.memory_space<smem>>
    %c0_i32 = arith.constant 0 : i32
    %c0_i32_1 = arith.constant 0 : i32
    %c0_i32_2 = arith.constant 0 : i32
    return %get3A_0, %c0_i32, %c0_i32_1 : i32, i32, i32
  }
  func.func @transform_14(%arg0: i32, %arg1: memref<41xi32, #tpu.memory_space<smem>>) -> (i32, i32, i32) {
    %get3A = arith.index_cast %arg0 : i32 to index
    %get3A_0 = memref.load %arg1[%get3A] : memref<41xi32, #tpu.memory_space<smem>>
    %c0_i32 = arith.constant 0 : i32
    %c0_i32_1 = arith.constant 0 : i32
    %c0_i32_2 = arith.constant 0 : i32
    return %get3A_0, %c0_i32, %c0_i32_1 : i32, i32, i32
  }
  func.func @transform_15(%arg0: i32, %arg1: memref<41xi32, #tpu.memory_space<smem>>) -> (i32, i32, i32) {
    %get3A = arith.index_cast %arg0 : i32 to index
    %get3A_0 = memref.load %arg1[%get3A] : memref<41xi32, #tpu.memory_space<smem>>
    %c0_i32 = arith.constant 0 : i32
    %c0_i32_1 = arith.constant 0 : i32
    %c0_i32_2 = arith.constant 0 : i32
    return %get3A_0, %c0_i32, %c0_i32_1 : i32, i32, i32
  }
  func.func @transform_16(%arg0: i32, %arg1: memref<41xi32, #tpu.memory_space<smem>>) -> (i32, i32) {
    %c0_i32 = arith.constant 0 : i32
    %c0_i32_0 = arith.constant 0 : i32
    return %arg0, %c0_i32 : i32, i32
  }
}

</mosaic_0001>

<sc_bundles>
// kernel: kernel.12.cloned.1.call-start
scs
__scs_entry_jumppad:
0x0: {  	(pc) =	sbr.rel $0x88, $3  }
0x1: {  	(tag) =	ssettag $0x0;
	lr =	simm.s32 $0x1  }
0x2: {  	[smem:$0x3F89] =	sst lr;
	_ =	strace $0xD0000000  }
0x3: {  	_ = 	snop  }
0x4: {  	_ = 	snop  }
0x5: {  	_ = 	snop  }
0x6: {  	_ = 	snop  }
0x7: {  	_ = 	snop  }
__scs_overlays_trampoline_lowered:
0x8: {  	[smem:$0x3F98] =	sst s0  }
0x9: {  	[smem:$0x3F99] =	sst s1  }
0xa: {  	[smem:$0x3F9A] =	sst s2  }
0xb: {  	[smem:$0x3F9B] =	sst s3  }
0xc: {  	[smem:$0x3F9C] =	sst s4  }
0xd: {  	[smem:$0x3F9D] =	sst s5  }
0xe: {  	[smem:$0x3F9E] =	sst s6  }
0xf: {  	[smem:$0x3F9F] =	sst s7  }
0x10: {  	[smem:$0x3FA0] =	sst s8  }
0x11: {  	[smem:$0x3FA1] =	sst s9;
	s0 =	simm.s32 @!p0 $0x0  }
0x12: {  	s1 =	sld [smem:$0x3F87];
	s0 =	simm.s32 @p0 $0x1  }
0x13: {  	[smem:$0x3FA2] =	sst s0;
	s0 =	simm.s32 @!p1 $0x0  }
0x14: {  	s2 =	sld [smem:$0x3F86];
	s0 =	simm.s32 @p1 $0x1  }
0x15: {  	[smem:$0x3FA3] =	sst s0;
	s0 =	simm.s32 @!p2 $0x0  }
0x16: {  	s3 =	sld [smem:$0x3FDB];
	s0 =	simm.s32 @p2 $0x1  }
0x17: {  	s4 =	simm.s32 $0x1BF5;
	[smem:$0x3FA5] =	sst s0  }
0x18: {  	s0 =	sld [smem:$0x3F88];
	_ =	swait.ge [sflag:s4], $0x0  }
0x19: {  	s7 =	sld [smem:$0x3F89]  }
0x1a: {  	s8 =	sadd.s32 $0xFFFFE003, lr  }
0x1b: {  	s9 =	sadd.s32 $0xFFFFFEF7, lr;
	s5 =	simm.s32 $0xFFFFFFFF;
	p2 =	slt.u32 s8, $0xFFFFF086  }
0x1c: {  	p1 =	slt.u32 s9, $0xF7A;
	s5 =	simm.s32 @!p2 $0x0  }
0x1d: {  	s5 =	simm.s32 @p1 $0x1;
	p0 =	seq.s32 s7, s2  }
0x1e: {  	s7 =	smul.u32 @!p0 $0xF7A, s2;
	p2 =	seq.s32 @!p0 s5, $0x0  }
0x1f: {  	s9 =	smul.u32 $0xF7A, s1;
	s8 =	simm.s32 @!p0 $0x1BF5;
	p2 =	por !p2, p0  }
0x20: {  	[sflag:s8] =	ssyncset.s32 @!p0 $0xFFFFF086;
	s6 =	sadd.s32 @!p0 s3, s7;
	s7 =	simm.s32 @!p0 $0x108  }
0x21: {  	s3 =	sadd.s32 s3, s9;
	s6 =	sadd.s32 @!p0 $0x88, s6;
	s7 =	simm.s32 @p2 $0x1082  }
0x22: {  	[simem:s7], [sflag:s8] =	dma.local @!p0 [hbm:s6], $0xF7A  }
0x23: {  	s9 =	sor.u32 $0xD0000000, s2;
	s6 =	simm.s32 $0x108;
	_ =	swait.ge @!p0 [sflag:s8], $0x0  }
0x24: {  	s3 =	sadd.s32 $0x88, s3;
	s6 =	simm.s32 @!p1 $0x1082;
	[sflag:s4] =	ssyncset.s32 $0xFFFFF086  }
0x25: {  	[simem:s6], [sflag:s4] =	dma.local [hbm:s3], $0xF7A  }
0x26: {  	[smem:$0x3F89] =	sst s1;
	(tag) =	ssettag s2;
	_ =	strace s9  }
0x27: {  	s1 =	sld [smem:$0x3F99]  }
0x28: {  	s2 =	sld [smem:$0x3F9A]  }
0x29: {  	s4 =	sld [smem:$0x3F9C]  }
0x2a: {  	p0 =	seq.s32 s5, $0x0;
	s5 =	sld [smem:$0x3F9D]  }
0x2b: {  	s6 =	sld [smem:$0x3F9E]  }
0x2c: {  	s7 =	sld [smem:$0x3F9F]  }
0x2d: {  	s3 =	simm.s32 $0x108;
	s8 =	sld [smem:$0x3FA0]  }
0x2e: {  	s3 =	simm.s32 @!p0 $0x1082;
	s9 =	sld [smem:$0x3FA1]  }
0x2f: {  	lr =	sadd.s32 s0, s3;
	s0 =	sld [smem:$0x3F98]  }
0x30: {  	s3 =	sld [smem:$0x3F9B]  }
0x31: {  	[smem:$0x3FA4] =	sst s10  }
0x32: {  	s10 =	sld [smem:$0x3FA2];
	_ =	sdelay $0x3  }
0x33: {  	p0 =	seq.s32 s10, $0x1;
	s10 =	sld [smem:$0x3FA4];
	_ =	sdelay $0x3  }
0x34: {  	[smem:$0x3FA4] =	sst s10  }
0x35: {  	s10 =	sld [smem:$0x3FA3];
	_ =	sdelay $0x3  }
0x36: {  	p1 =	seq.s32 s10, $0x1;
	s10 =	sld [smem:$0x3FA4];
	_ =	sdelay $0x3  }
0x37: {  	[smem:$0x3FA4] =	sst s10  }
0x38: {  	s10 =	sld [smem:$0x3FA5]  }
0x39: {  	_ = 	snop;
	(pc) =	sbr.ind lr, $3  }
0x3a: {  	_ = 	snop  }
0x3b: {  	_ = 	snop  }
0x3c: {  	p2 =	seq.s32 s10, $0x1;
	s10 =	sld [smem:$0x3FA4]  }
0x3d: {  	_ =	shalt  }
0x3e: {  	_ =	shalt  }
0x3f: {  	_ =	shalt  }
0x40: {  	_ =	shalt  }
0x41: {  	_ =	shalt  }
0x42: {  	_ =	shalt  }
0x43: {  	_ =	shalt  }
0x44: {  	_ =	shalt  }
0x45: {  	_ =	shalt  }
0x46: {  	_ =	shalt  }
0x47: {  	_ =	shalt  }
0x48: {  	_ =	shalt  }
0x49: {  	_ =	shalt  }
0x4a: {  	_ =	shalt  }
0x4b: {  	_ =	shalt  }
0x4c: {  	_ =	shalt  }
0x4d: {  	_ =	shalt  }
0x4e: {  	_ =	shalt  }
0x4f: {  	_ =	shalt  }
0x50: {  	_ =	shalt  }
0x51: {  	_ =	shalt  }
0x52: {  	_ =	shalt  }
0x53: {  	_ =	shalt  }
0x54: {  	_ =	shalt  }
0x55: {  	_ =	shalt  }
0x56: {  	_ =	shalt  }
0x57: {  	_ =	shalt  }
0x58: {  	_ =	shalt  }
0x59: {  	_ =	shalt  }
0x5a: {  	_ =	shalt  }
0x5b: {  	_ =	shalt  }
0x5c: {  	_ =	shalt  }
0x5d: {  	_ =	shalt  }
0x5e: {  	_ =	shalt  }
0x5f: {  	_ =	shalt  }
0x60: {  	_ =	shalt  }
0x61: {  	_ =	shalt  }
0x62: {  	_ =	shalt  }
0x63: {  	_ =	shalt  }
0x64: {  	_ =	shalt  }
0x65: {  	_ =	shalt  }
0x66: {  	_ =	shalt  }
0x67: {  	_ =	shalt  }
0x68: {  	_ =	shalt  }
0x69: {  	_ =	shalt  }
0x6a: {  	_ =	shalt  }
0x6b: {  	_ =	shalt  }
0x6c: {  	_ =	shalt  }
0x6d: {  	_ =	shalt  }
0x6e: {  	_ =	shalt  }
0x6f: {  	_ =	shalt  }
0x70: {  	_ =	shalt  }
0x71: {  	_ =	shalt  }
0x72: {  	_ =	shalt  }
0x73: {  	_ =	shalt  }
0x74: {  	_ =	shalt  }
0x75: {  	_ =	shalt  }
0x76: {  	_ =	shalt  }
0x77: {  	_ =	shalt  }
0x78: {  	_ =	shalt  }
0x79: {  	_ =	shalt  }
0x7a: {  	_ =	shalt  }
0x7b: {  	_ =	shalt  }
0x7c: {  	_ =	shalt  }
0x7d: {  	_ =	shalt  }
0x7e: {  	_ =	shalt  }
0x7f: {  	_ =	shalt  }
0x80: {  	_ =	shalt  }
0x81: {  	_ =	shalt  }
0x82: {  	_ =	shalt  }
0x83: {  	_ =	shalt  }
0x84: {  	_ =	shalt  }
0x85: {  	_ =	shalt  }
0x86: {  	_ =	shalt  }
0x87: {  	_ =	shalt  }
.Lfunc_end0:
.L_simem_size_0:
called_computation.1_lowered:
.L_overlay_start_0:
0x88: {  	s2 =	sld [smem:$0x3FD9]  }
0x89: {  	s3 =	sld [smem:$0x3FFE];
	_ =	sdelay $0x1  }
0x8a: {  	s1 =	srdreg.scid  }
0x8b: {  	s0 =	sand.u32 $0x1, s1  }
0x8c: {  	s16 =	sshll.u32 s0, $0xA;
	s2 =	sadd.s32 s3, s2  }
0x8d: {  	s2 =	sadd.s32 s2, s16  }
0x8e: {  	[smem:$0x3FB0] =	sst s2  }
0x8f: {  	_ = 	snop  }
0x90: {  	(tm) =	ssettm $0x1  }
0x91: {  	s17 =	sld [smem:$0x3FFB];
	_ =	sdelay $0x3  }
0x92: {  	_ =	strace s17  }
0x93: {  	s2 =	sld [smem:$0x3FFC];
	_ =	sdelay $0x3  }
0x94: {  	_ =	strace s2  }
0x95: {  	s2 =	sld [smem:$0x3FFD];
	_ =	sdelay $0x3  }
0x96: {  	_ =	strace s2  }
0x97: {  	_ =	strace $0x8FFFFFFF  }
0x98: {  	s18 =	sld [smem:$0x3FDB];
	_ =	sdelay $0x1  }
0x99: {  	s19 =	simm.s32 $_scs_section_size  }
0x9a: {  	s4 =	simm.s32 $_size__tile_overlayer_lowered;
	s5 =	simm.s32 $_tile_overlayer_lowered  }
0x9b: {  	s22 =	simm.s32 $0x1BFF;
	s21 =	sshll.u32 s5, $0x1;
	s2 =	sadd.s32 s19, s18  }
0x9c: {  	s6 =	simm.s32 $0x0;
	s20 =	sshll.u32 s4, $0x1;
	s4 =	sadd.s32 s21, s2  }
0x9d: {  	[timem:s6], [sflag:s22] =	dma.local [hbm:s4], s20  }
0x9e: {  	_ =	swait.ge [sflag:s22], s20  }
0x9f: {  	s3 =	ssub.s32 $0x0, s20;
	[sflag:s22] =	ssyncset.done $0x0  }
0xa0: {  	[sflag:s22] =	ssyncadd.s32 s3;
	_ =	sdelay $0x1  }
0xa1: {  	s23 =	simm.s32 $0x1B8B  }
0xa2: {  	_ =	swait.ge [sflag:s23], $0x1  }
0xa3: {  	[sflag:s23] =	ssyncset.done $0x0  }
0xa4: {  	s25 =	simm.s32 $0x1B8E;
	s24 =	sld [smem:$0x3FFE];
	[sflag:s23] =	ssyncadd.s32 $0xFFFFFFFF  }
0xa5: {  	s26 =	simm.s32 $execute0_lowered;
	[smem:$0x3FD2] =	sst s25  }
0xa6: {  	s4 =	sshll.u32 s26, $0x1;
	_ =	strace $0x80000049;
	[dreg:$0x1] =	wrdreg $0xFFFFFFFF  }
0xa7: {  	s28 =	simm.s32 $_size_execute0_lowered;
	s2 =	sadd.s32 s2, s4;
	[dreg:$0x0] =	wrdreg $0x0  }
0xa8: {  	s4 =	sshll.u32 s28, $0x1;
	[dreg:$0x2] =	wrdreg s2  }
0xa9: {  	[dreg:$0x3] =	wrdreg s4  }
0xaa: {  	[dreg:$0x4] =	wrdreg $0xC0  }
0xab: {  	_ =	task [dreg:s6], $0x5FFFF  }
0xac: {  	[dreg:$0x1] =	wrdreg $0xFFFFFFFF  }
0xad: {  	[dreg:$0x0] =	wrdreg $0x60  }
0xae: {  	[dreg:$0x2] =	wrdreg s24  }
0xaf: {  	[dreg:$0x3] =	wrdreg $0x9  }
0xb0: {  	_ =	task.clear_ibuf [dreg:s6], $0x4FFFF;
	_ =	strace $0x90000049  }
0xb1: {  	s29 =	simm.s32 $0x9;
	_ =	strace $0x8000004B  }
0xb2: {  	_ =	swait.ge [sflag:s29], $0x1  }
0xb3: {  	[sflag:s29] =	ssyncadd.s32 $0xFFFFFFFF  }
0xb4: {  	_ =	strace $0x9000004B  }
0xb5: {  	_ =	sfence  }
0xb6: {  	s30 =	sld [smem:$0x0];
	_ =	sdelay $0x2  }
0xb7: {  	s31 =	sshll.u32 s1, $0xD;
	s1 =	sshrl.u32 s1, $0x2  }
0xb8: {  	s3 =	sand.u32 $0x4000, s31;
	s1 =	sadd.s32 s1, s30  }
0xb9: {  	s0 =	sor.u32 s3, s0;
	s1 =	sshll.u32 s1, $0x11  }
0xba: {  	s0 =	sor.u32 s1, s0  }
0xbb: {  	s0 =	sadd.s32 $0x8F2B, s0  }
0xbc: {  	[sflag:s0] =	ssyncadd.remote.s32 $0x1  }
0xbd: {  	_ =	sfence.sel $0xFFFF  }
0xbe: {  	[dreg:$0x0] =	wrdreg $0xFFFFFFFF;
	(pc) =	sbr.abs _section_cstart, $3  }
0xbf: {  	[dreg:$0x1] =	wrdreg $0xFFFFFFFF  }
0xc0: {  	_ =	task.clear_ibuf [dreg:s6], $0x2FFFF;
	_ =	strace $0x9FFFFFFF  }
0xc1: {  	(tm) =	ssettm $0x7FFFFFFF  }
tec
execute0_lowered:
.L_overlay_start_1:
0x0: {  	(tag) =	ssettag $0x1  }
0x1: {  	s1 =	srdreg.scid  }
0x2: {  	s0 =	stileid.u32;
	s9 =	rddreg [dreg:$0x0];
	s6 =	sand.u32 $0x1, s1  }
0x3: {  	s7 =	simm.s32 $0x80;
	s30 =	sshll.u32 s0, $0x6;
	s2 =	sshll.u32 s6, $0x5  }
0x4: {  	s8 =	simm.s32 $0x1;
	s1 =	rddreg [dreg:$0x1];
	s10 =	sor.u32 s2, s30  }
0x5: {  	s5 =	sadd.s32 $0x5000, s9;
	s2 =	simm.s32 $0x0;
	s3 =	sshrl.u32 s10, $0x3  }
0x6: {  	s11 =	ssub.s32 $0x2, s6;
	[smem:$0x7FF] =	sst s2;
	s3 =	sadd.s32 s3, s9  }
0x7: {  	_ =	strace $0x8000004A;
	s4 =	sadd.s32 $0x65000, s3;
	s3 =	simm.s32 $0x2  }
0x8: {  	[tilespmem:s2], [sflag:$0x2] =	stream.linear.gather [hbm4b:s4+s2], $0x20, $0x38;
	[tilespmem:$0x1080] =	vst v63  }
0x9: {  	s6 =	simm.s32 $0x20;
	s12 =	sshrl.u32 s11, $0x1;
	_ =	swait.ge [sflag:s3], $0x20  }
0xa: {  	s10 =	sshll.u32 s10, $0x4;
	s31 =	ssub.s32 s11, s12;
	[sflag:s3] =	ssyncset.done $0x0  }
0xb: {  	s9 =	sadd.s32 s10, s9;
	s10 =	smax.u32 s31, $0x1;
	[sflag:s3] =	ssyncadd.s32 $0xFFFFFFE0  }
0xc: {  	[tilespmem:s7], [sflag:$0x1] =	stream.indirect.gather [hbm4b:s5+s6], $0x80, s2, s6, $0xb8;
	[tilespmem:$0x1080] =	vst v63  }
0xd: {  	p0 =	sne.s32 s10, $0x1;
	_ =	swait.ge [sflag:s8], $0x1000  }
.Ltmp0:
0xe: {  	[sflag:s8] =	ssyncset.done $0x0;
	(pc) =	sbr.rel @!p0 .LBB2_2-.Ltmp0, $4  }
0xf: {  	s9 =	sadd.s32 $0xA000, s9;
	[sflag:s8] =	ssyncadd.s32 $0xFFFFF000  }
0x10: {  	[hbm4b:s9+s2] =	stream.linear.scatter [tilespmem:s7], [sflag:$0x2], $0x1000, $0x38;
	[tilespmem:$0x1080] =	vst v63  }
0x11: {  	_ =	swait.ge [sflag:s3], $0x1000  }
0x12: {  	s10 =	sadd.s32 $0xFFFFFFFF, s10;
	[sflag:s3] =	ssyncset.done $0x0  }
.LBB2_1:
0x13: {  	p0 =	sne.s32 s10, $0x1;
	s10 =	sadd.s32 $0xFFFFFFFF, s10;
	[sflag:s3] =	ssyncadd.s32 $0xFFFFF000  }
0x14: {  	[tilespmem:s2], [sflag:$0x2] =	stream.linear.gather [hbm4b:s4+s2], $0x20, $0x38;
	[tilespmem:$0x1080] =	vst v63  }
0x15: {  	_ =	swait.ge [sflag:s3], $0x20  }
0x16: {  	[sflag:s3] =	ssyncset.done $0x0  }
0x17: {  	[sflag:s3] =	ssyncadd.s32 $0xFFFFFFE0  }
0x18: {  	[tilespmem:s7], [sflag:$0x1] =	stream.indirect.gather [hbm4b:s5+s6], $0x80, s2, s6, $0xb8;
	[tilespmem:$0x1080] =	vst v63  }
0x19: {  	_ =	swait.ge [sflag:s8], $0x1000  }
.Ltmp1:
0x1a: {  	[sflag:s8] =	ssyncset.done $0x0;
	(pc) =	sbr.rel @p0 .LBB2_1-.Ltmp1, $4  }
0x1b: {  	[sflag:s8] =	ssyncadd.s32 $0xFFFFF000  }
0x1c: {  	[hbm4b:s9+s2] =	stream.linear.scatter [tilespmem:s7], [sflag:$0x2], $0x1000, $0x38;
	[tilespmem:$0x1080] =	vst v63  }
0x1d: {  	_ =	swait.ge [sflag:s3], $0x1000  }
0x1e: {  	[sflag:s3] =	ssyncset.done $0x0  }
.LBB2_2:
0x1f: {  	[sflag:s3] =	ssyncadd.s32 $0xFFFFF000  }
0x20: {  	_ =	sfence.sel $0x180000  }
0x21: {  	[bflag:$0x0] =	sbarrier.arrive $0xFFFF  }
0x22: {  	p0 =	sne.s32 s0, $0x0;
	_ =	strace $0x9000004A  }
0x23: {  	s0 =	sadd.s32 @!p0 $0x100000, s1;
	[bflag:$0x2] =	sbarrier.arrive $0xFFFF  }
0x24: {  	[sflag:s0] =	ssyncadd.tile.s32 @!p0 $0x1;
	_ =	shalt  }
.Lfunc_end2:
_tile_overlayer_lowered:
.L_overlay_start_2:
0x25: {  	(tag) =	ssettag $0x2  }
0x26: {  	s0 =	rddreg [dreg:$0x0];
	s2 =	stileid.u32  }
0x27: {  	s1 =	rddreg [dreg:$0x1];
	p0 =	sne.s32 s2, $0x0  }
0x28: {  	s3 =	rddreg [dreg:$0x2];
	[bflag:$0x3] =	sbarrier.arrive $0xFFFF;
	s2 =	simm.s32 @!p0 $0x1C02  }
0x29: {  	[timem:s3], [sflag:s2] =	dma.local @!p0 [hbm:s0], s1  }
0x2a: {  	s0 =	simm.s32 @!p0 $0x2  }
0x2b: {  	_ =	swait.ge @!p0 [sflag:s0], s1  }
0x2c: {  	s1 =	ssub.s32 @!p0 $0x0, s1;
	[sflag:s0] =	ssyncset.done @!p0 $0x0  }
0x2d: {  	[sflag:s0] =	ssyncadd.s32 @!p0 s1  }
0x2e: {  	[bflag:$0x3] =	sbarrier.arrive $0xFFFF  }
0x2f: {  	_ =	shalt  }

// kernel: kernel.9.cloned.1.call-start
scs
__scs_entry_jumppad:
0x0: {  	(pc) =	sbr.rel $0x88, $3  }
0x1: {  	(tag) =	ssettag $0x0;
	lr =	simm.s32 $0x1  }
0x2: {  	[smem:$0x3F89] =	sst lr;
	_ =	strace $0xD0000000  }
0x3: {  	_ = 	snop  }
0x4: {  	_ = 	snop  }
0x5: {  	_ = 	snop  }
0x6: {  	_ = 	snop  }
0x7: {  	_ = 	snop  }
__scs_overlays_trampoline_lowered:
0x8: {  	[smem:$0x3F98] =	sst s0  }
0x9: {  	[smem:$0x3F99] =	sst s1  }
0xa: {  	[smem:$0x3F9A] =	sst s2  }
0xb: {  	[smem:$0x3F9B] =	sst s3  }
0xc: {  	[smem:$0x3F9C] =	sst s4  }
0xd: {  	[smem:$0x3F9D] =	sst s5  }
0xe: {  	[smem:$0x3F9E] =	sst s6  }
0xf: {  	[smem:$0x3F9F] =	sst s7  }
0x10: {  	[smem:$0x3FA0] =	sst s8  }
0x11: {  	[smem:$0x3FA1] =	sst s9;
	s0 =	simm.s32 @!p0 $0x0  }
0x12: {  	s1 =	sld [smem:$0x3F87];
	s0 =	simm.s32 @p0 $0x1  }
0x13: {  	[smem:$0x3FA2] =	sst s0;
	s0 =	simm.s32 @!p1 $0x0  }
0x14: {  	s2 =	sld [smem:$0x3F86];
	s0 =	simm.s32 @p1 $0x1  }
0x15: {  	[smem:$0x3FA3] =	sst s0;
	s0 =	simm.s32 @!p2 $0x0  }
0x16: {  	s3 =	sld [smem:$0x3FDB];
	s0 =	simm.s32 @p2 $0x1  }
0x17: {  	s4 =	simm.s32 $0x1BF5;
	[smem:$0x3FA5] =	sst s0  }
0x18: {  	s0 =	sld [smem:$0x3F88];
	_ =	swait.ge [sflag:s4], $0x0  }
0x19: {  	s7 =	sld [smem:$0x3F89]  }
0x1a: {  	s8 =	sadd.s32 $0xFFFFE003, lr  }
0x1b: {  	s9 =	sadd.s32 $0xFFFFFEF7, lr;
	s5 =	simm.s32 $0xFFFFFFFF;
	p2 =	slt.u32 s8, $0xFFFFF086  }
0x1c: {  	p1 =	slt.u32 s9, $0xF7A;
	s5 =	simm.s32 @!p2 $0x0  }
0x1d: {  	s5 =	simm.s32 @p1 $0x1;
	p0 =	seq.s32 s7, s2  }
0x1e: {  	s7 =	smul.u32 @!p0 $0xF7A, s2;
	p2 =	seq.s32 @!p0 s5, $0x0  }
0x1f: {  	s9 =	smul.u32 $0xF7A, s1;
	s8 =	simm.s32 @!p0 $0x1BF5;
	p2 =	por !p2, p0  }
0x20: {  	[sflag:s8] =	ssyncset.s32 @!p0 $0xFFFFF086;
	s6 =	sadd.s32 @!p0 s3, s7;
	s7 =	simm.s32 @!p0 $0x108  }
0x21: {  	s3 =	sadd.s32 s3, s9;
	s6 =	sadd.s32 @!p0 $0x88, s6;
	s7 =	simm.s32 @p2 $0x1082  }
0x22: {  	[simem:s7], [sflag:s8] =	dma.local @!p0 [hbm:s6], $0xF7A  }
0x23: {  	s9 =	sor.u32 $0xD0000000, s2;
	s6 =	simm.s32 $0x108;
	_ =	swait.ge @!p0 [sflag:s8], $0x0  }
0x24: {  	s3 =	sadd.s32 $0x88, s3;
	s6 =	simm.s32 @!p1 $0x1082;
	[sflag:s4] =	ssyncset.s32 $0xFFFFF086  }
0x25: {  	[simem:s6], [sflag:s4] =	dma.local [hbm:s3], $0xF7A  }
0x26: {  	[smem:$0x3F89] =	sst s1;
	(tag) =	ssettag s2;
	_ =	strace s9  }
0x27: {  	s1 =	sld [smem:$0x3F99]  }
0x28: {  	s2 =	sld [smem:$0x3F9A]  }
0x29: {  	s4 =	sld [smem:$0x3F9C]  }
0x2a: {  	p0 =	seq.s32 s5, $0x0;
	s5 =	sld [smem:$0x3F9D]  }
0x2b: {  	s6 =	sld [smem:$0x3F9E]  }
0x2c: {  	s7 =	sld [smem:$0x3F9F]  }
0x2d: {  	s3 =	simm.s32 $0x108;
	s8 =	sld [smem:$0x3FA0]  }
0x2e: {  	s3 =	simm.s32 @!p0 $0x1082;
	s9 =	sld [smem:$0x3FA1]  }
0x2f: {  	lr =	sadd.s32 s0, s3;
	s0 =	sld [smem:$0x3F98]  }
0x30: {  	s3 =	sld [smem:$0x3F9B]  }
0x31: {  	[smem:$0x3FA4] =	sst s10  }
0x32: {  	s10 =	sld [smem:$0x3FA2];
	_ =	sdelay $0x3  }
0x33: {  	p0 =	seq.s32 s10, $0x1;
	s10 =	sld [smem:$0x3FA4];
	_ =	sdelay $0x3  }
0x34: {  	[smem:$0x3FA4] =	sst s10  }
0x35: {  	s10 =	sld [smem:$0x3FA3];
	_ =	sdelay $0x3  }
0x36: {  	p1 =	seq.s32 s10, $0x1;
	s10 =	sld [smem:$0x3FA4];
	_ =	sdelay $0x3  }
0x37: {  	[smem:$0x3FA4] =	sst s10  }
0x38: {  	s10 =	sld [smem:$0x3FA5]  }
0x39: {  	_ = 	snop;
	(pc) =	sbr.ind lr, $3  }
0x3a: {  	_ = 	snop  }
0x3b: {  	_ = 	snop  }
0x3c: {  	p2 =	seq.s32 s10, $0x1;
	s10 =	sld [smem:$0x3FA4]  }
0x3d: {  	_ =	shalt  }
0x3e: {  	_ =	shalt  }
0x3f: {  	_ =	shalt  }
0x40: {  	_ =	shalt  }
0x41: {  	_ =	shalt  }
0x42: {  	_ =	shalt  }
0x43: {  	_ =	shalt  }
0x44: {  	_ =	shalt  }
0x45: {  	_ =	shalt  }
0x46: {  	_ =	shalt  }
0x47: {  	_ =	shalt  }
0x48: {  	_ =	shalt  }
0x49: {  	_ =	shalt  }
0x4a: {  	_ =	shalt  }
0x4b: {  	_ =	shalt  }
0x4c: {  	_ =	shalt  }
0x4d: {  	_ =	shalt  }
0x4e: {  	_ =	shalt  }
0x4f: {  	_ =	shalt  }
0x50: {  	_ =	shalt  }
0x51: {  	_ =	shalt  }
0x52: {  	_ =	shalt  }
0x53: {  	_ =	shalt  }
0x54: {  	_ =	shalt  }
0x55: {  	_ =	shalt  }
0x56: {  	_ =	shalt  }
0x57: {  	_ =	shalt  }
0x58: {  	_ =	shalt  }
0x59: {  	_ =	shalt  }
0x5a: {  	_ =	shalt  }
0x5b: {  	_ =	shalt  }
0x5c: {  	_ =	shalt  }
0x5d: {  	_ =	shalt  }
0x5e: {  	_ =	shalt  }
0x5f: {  	_ =	shalt  }
0x60: {  	_ =	shalt  }
0x61: {  	_ =	shalt  }
0x62: {  	_ =	shalt  }
0x63: {  	_ =	shalt  }
0x64: {  	_ =	shalt  }
0x65: {  	_ =	shalt  }
0x66: {  	_ =	shalt  }
0x67: {  	_ =	shalt  }
0x68: {  	_ =	shalt  }
0x69: {  	_ =	shalt  }
0x6a: {  	_ =	shalt  }
0x6b: {  	_ =	shalt  }
0x6c: {  	_ =	shalt  }
0x6d: {  	_ =	shalt  }
0x6e: {  	_ =	shalt  }
0x6f: {  	_ =	shalt  }
0x70: {  	_ =	shalt  }
0x71: {  	_ =	shalt  }
0x72: {  	_ =	shalt  }
0x73: {  	_ =	shalt  }
0x74: {  	_ =	shalt  }
0x75: {  	_ =	shalt  }
0x76: {  	_ =	shalt  }
0x77: {  	_ =	shalt  }
0x78: {  	_ =	shalt  }
0x79: {  	_ =	shalt  }
0x7a: {  	_ =	shalt  }
0x7b: {  	_ =	shalt  }
0x7c: {  	_ =	shalt  }
0x7d: {  	_ =	shalt  }
0x7e: {  	_ =	shalt  }
0x7f: {  	_ =	shalt  }
0x80: {  	_ =	shalt  }
0x81: {  	_ =	shalt  }
0x82: {  	_ =	shalt  }
0x83: {  	_ =	shalt  }
0x84: {  	_ =	shalt  }
0x85: {  	_ =	shalt  }
0x86: {  	_ =	shalt  }
0x87: {  	_ =	shalt  }
.Lfunc_end0:
.L_simem_size_0:
called_computation_lowered:
.L_overlay_start_0:
0x88: {  	s2 =	sld [smem:$0x3FD9]  }
0x89: {  	s3 =	sld [smem:$0x3FFE];
	_ =	sdelay $0x1  }
0x8a: {  	s1 =	srdreg.scid  }
0x8b: {  	s0 =	sand.u32 $0x1, s1  }
0x8c: {  	s17 =	sshll.u32 s0, $0xA;
	s2 =	sadd.s32 s3, s2  }
0x8d: {  	s2 =	sadd.s32 s2, s17  }
0x8e: {  	[smem:$0x3FB0] =	sst s2  }
0x8f: {  	_ = 	snop  }
0x90: {  	s2 =	sld [smem:$0x3FD0];
	(tm) =	ssettm $0x1  }
0x91: {  	s18 =	sld [smem:$0x3FFB];
	_ =	sdelay $0x3  }
0x92: {  	_ =	strace s18  }
0x93: {  	s3 =	sld [smem:$0x3FFC];
	_ =	sdelay $0x3  }
0x94: {  	_ =	strace s3  }
0x95: {  	s3 =	sld [smem:$0x3FFD];
	_ =	sdelay $0x3  }
0x96: {  	_ =	strace s3  }
0x97: {  	_ =	strace $0x8FFFFFFF  }
0x98: {  	s19 =	sld [smem:$0x3FDB];
	_ =	sdelay $0x1  }
0x99: {  	s4 =	simm.s32 $_scs_section_size  }
0x9a: {  	s5 =	simm.s32 $_size__tile_overlayer_lowered;
	s6 =	simm.s32 $_tile_overlayer_lowered  }
0x9b: {  	s22 =	simm.s32 $0x1BFF;
	s21 =	sshll.u32 s6, $0x1;
	s3 =	sadd.s32 s4, s19  }
0x9c: {  	s7 =	simm.s32 $0x0;
	s20 =	sshll.u32 s5, $0x1;
	s5 =	sadd.s32 s21, s3  }
0x9d: {  	[timem:s7], [sflag:s22] =	dma.local [hbm:s5], s20  }
0x9e: {  	_ =	swait.ge [sflag:s22], s20  }
0x9f: {  	s4 =	ssub.s32 $0x0, s20;
	[sflag:s22] =	ssyncset.done $0x0  }
0xa0: {  	[sflag:s22] =	ssyncadd.s32 s4;
	_ =	sdelay $0x1  }
0xa1: {  	s23 =	simm.s32 $0x1B8B  }
0xa2: {  	_ =	swait.ge [sflag:s23], $0x1  }
0xa3: {  	[sflag:s23] =	ssyncset.done $0x0  }
0xa4: {  	s25 =	simm.s32 $0x1B8E;
	s24 =	sld [smem:$0x3FFE];
	[sflag:s23] =	ssyncadd.s32 $0xFFFFFFFF  }
0xa5: {  	s26 =	simm.s32 $execute0_lowered;
	[smem:$0x3FD2] =	sst s25  }
0xa6: {  	s5 =	sshll.u32 s26, $0x1;
	_ =	strace $0x80000046;
	[dreg:$0x1] =	wrdreg $0xFFFFFFFF  }
0xa7: {  	s28 =	simm.s32 $_size_execute0_lowered;
	s3 =	sadd.s32 s3, s5;
	[dreg:$0x0] =	wrdreg $0x0  }
0xa8: {  	s5 =	sshll.u32 s28, $0x1;
	[dreg:$0x2] =	wrdreg s3  }
0xa9: {  	[dreg:$0x3] =	wrdreg s5  }
0xaa: {  	[dreg:$0x4] =	wrdreg $0xC0  }
0xab: {  	_ =	task [dreg:s7], $0x5FFFF  }
0xac: {  	[dreg:$0x1] =	wrdreg $0xFFFFFFFF  }
0xad: {  	[dreg:$0x0] =	wrdreg $0x60  }
0xae: {  	[dreg:$0x2] =	wrdreg s24  }
0xaf: {  	[dreg:$0x3] =	wrdreg s2  }
0xb0: {  	[dreg:$0x4] =	wrdreg $0x9  }
0xb1: {  	_ =	task.clear_ibuf [dreg:s7], $0x5FFFF;
	_ =	strace $0x90000046  }
0xb2: {  	s29 =	simm.s32 $0x9;
	_ =	strace $0x80000048  }
0xb3: {  	_ =	swait.ge [sflag:s29], $0x1  }
0xb4: {  	[sflag:s29] =	ssyncadd.s32 $0xFFFFFFFF  }
0xb5: {  	_ =	strace $0x90000048  }
0xb6: {  	_ =	sfence  }
0xb7: {  	s30 =	sld [smem:$0x0];
	_ =	sdelay $0x2  }
0xb8: {  	s31 =	sshll.u32 s1, $0xD;
	s1 =	sshrl.u32 s1, $0x2  }
0xb9: {  	s3 =	sand.u32 $0x4000, s31;
	s1 =	sadd.s32 s1, s30  }
0xba: {  	s0 =	sor.u32 s3, s0;
	s1 =	sshll.u32 s1, $0x11  }
0xbb: {  	s0 =	sor.u32 s1, s0  }
0xbc: {  	s0 =	sadd.s32 $0x8F2B, s0  }
0xbd: {  	[sflag:s0] =	ssyncadd.remote.s32 $0x1  }
0xbe: {  	_ =	sfence.sel $0xFFFF  }
0xbf: {  	[dreg:$0x0] =	wrdreg $0xFFFFFFFF;
	(pc) =	sbr.abs _section_cstart, $3  }
0xc0: {  	[dreg:$0x1] =	wrdreg $0xFFFFFFFF  }
0xc1: {  	_ =	task.clear_ibuf [dreg:s7], $0x2FFFF;
	_ =	strace $0x9FFFFFFF  }
0xc2: {  	(tm) =	ssettm $0x7FFFFFFF  }
0xc3: {  	_ =	shalt  }
tec
execute0_lowered:
.L_overlay_start_1:
0x0: {  	(tag) =	ssettag $0x1  }
0x1: {  	s0 =	rddreg [dreg:$0x0];
	s1 =	srdreg.scid  }
0x2: {  	s2 =	stileid.u32;
	s4 =	rddreg [dreg:$0x1];
	s28 =	simm.s32 $0x880  }
0x3: {  	s29 =	simm.s32 $0x1080;
	s30 =	simm.s32 $0x1880;
	s31 =	simm.s32 $0x2080  }
0x4: {  	s1 =	sand.u32 $0x1, s1;
	s3 =	sshll.u32 s2, $0x1;
	s2 =	simm.s32 $0x0  }
0x5: {  	s19 =	sadd.s32 $0x186400, s0;
	s6 =	sadd.s32 $0xF5400, s0;
	s7 =	sadd.s32 $0xF5500, s0  }
0x6: {  	s8 =	sadd.s32 $0xF5600, s0;
	s9 =	sadd.s32 $0xF5700, s0;
	s10 =	sadd.s32 $0xF5800, s0  }
0x7: {  	s11 =	sadd.s32 $0xF5900, s0;
	s12 =	sadd.s32 $0xF5A00, s0;
	s15 =	sadd.s32 $0xF5D00, s0  }
0x8: {  	s3 =	sor.u32 s1, s3;
	[smem:$0x7FF] =	sst s2;
	s1 =	ssub.s32 $0x2, s1  }
0x9: {  	s16 =	smul.u32 $0x28, s3;
	_ =	strace $0x80000047;
	s5 =	sshrl.u32 s1, $0x1  }
0xa: {  	s3 =	sadd.s32 $0xF5200, s0;
	s1 =	ssub.s32 s1, s5;
	s5 =	sadd.s32 $0xF5300, s0  }
0xb: {  	s13 =	sshrl.u32 s16, $0x3;
	s14 =	sadd.s32 $0x8, s16;
	s16 =	sadd.s32 $0x18, s16  }
0xc: {  	s21 =	sadd.s32 s4, s13;
	s17 =	smul.u32 $0x1200, s13;
	s18 =	sshrl.u32 s14, $0x3  }
0xd: {  	s13 =	sadd.s32 $0xF5B00, s0;
	s14 =	sadd.s32 $0xF5C00, s0;
	s16 =	sshrl.u32 s16, $0x3  }
0xe: {  	s20 =	smul.u32 $0x1200, s18;
	s25 =	sadd.s32 s4, s18;
	s18 =	sadd.s32 $0x2, s21  }
0xf: {  	s23 =	smul.u32 $0x1200, s16;
	s4 =	sadd.s32 s4, s16;
	[dreg:$0xb] =	wrdreg s21  }
0x10: {  	s16 =	simm.s32 $0x1;
	s22 =	sadd.s32 s19, s17;
	[dreg:$0x3] =	wrdreg s25  }
0x11: {  	[dreg:$0x5] =	wrdreg s18;
	s17 =	sadd.s32 $0xF5E00, s0;
	s18 =	sadd.s32 $0xF5F00, s0  }
0x12: {  	[dreg:$0x7] =	wrdreg s4;
	s25 =	sadd.s32 $0x4, s21;
	s21 =	sadd.s32 $0xF6200, s0  }
0x13: {  	s4 =	simm.s32 $0x3880;
	s26 =	sadd.s32 s19, s20;
	[dreg:$0x9] =	wrdreg s25  }
0x14: {  	s20 =	sadd.s32 $0x2400, s22;
	s24 =	sadd.s32 s19, s23;
	[dreg:$0xc] =	wrdreg s22  }
0x15: {  	s19 =	sadd.s32 $0xF6000, s0;
	s23 =	smax.u32 s1, $0x1;
	[dreg:$0x4] =	wrdreg s26  }
0x16: {  	v0 =	vlaneseq.u32;
	s25 =	simm.s32 $0x80;
	s1 =	simm.s32 $0x2880;
	[dreg:$0x6] =	wrdreg s20  }
0x17: {  	v1 =	vshrl.u32 v0, $0x3;
	[dreg:$0x8] =	wrdreg s24;
	s20 =	sadd.s32 $0xF6100, s0;
	s26 =	sadd.s32 $0x4800, s22  }
0x18: {  	vm0 =	vmmov $0xffff;
	v0 =	vand.u32 $0x7, v0;
	v1 =	vmul.u32 $0x8, v1;
	s22 =	sadd.s32 $0xF6300, s0;
	s24 =	simm.s32 $0x2;
	[dreg:$0xa] =	wrdreg s26  }
.LBB2_1:
0x19: {  	s26 =	rddreg [dreg:$0xb]  }
0x1a: {  	[tilespmem:s2], [sflag:$0x2] =	stream.linear.gather [hbm4b:s26+s2], $0x8, $0x38;
	[tilespmem:$0x9080] =	vst v63  }
0x1b: {  	_ =	swait.ge [sflag:s24], $0x8  }
0x1c: {  	[sflag:s24] =	ssyncset.done $0x0  }
0x1d: {  	[sflag:s24] =	ssyncadd.s32 $0xFFFFFFF8  }
0x1e: {  	v2 =	vld.msk [tilespmem:$0x0], $0xff;
	_ =	sdelay $0x4  }
0x1f: {  	v3 =	vshrl.u32 v2, $0x3  }
0x20: {  	v3 =	vmul.u32 $0x120, v3  }
0x21: {  	v2 =	vand.u32 $0x7, v2  }
0x22: {  	v2 =	vor.u32 v2, v3  }
0x23: {  	v2 =	vperm.xlane v2, v0;
	_ =	sdelay $0x1  }
0x24: {  	v2 =	vadd.s32 v1, v2;
	_ =	sdelay $0x4  }
0x25: {  	[tilespmem:s25], [sflag:$0x1] =	stream.indirect_vreg.gather [hbm4b:s3+s2], $0x80, v2, vm0, $0xb8;
	[tilespmem:$0x9080] =	vst v63  }
0x26: {  	_ = 	snop  }
0x27: {  	[tilespmem:s28], [sflag:$0x1] =	stream.indirect_vreg.gather [hbm4b:s5+s2], $0x80, v2, vm0, $0xb8;
	[tilespmem:$0x9080] =	vst v63  }
0x28: {  	_ = 	snop  }
0x29: {  	[tilespmem:s29], [sflag:$0x1] =	stream.indirect_vreg.gather [hbm4b:s6+s2], $0x80, v2, vm0, $0xb8;
	[tilespmem:$0x9080] =	vst v63  }
0x2a: {  	_ = 	snop  }
0x2b: {  	[tilespmem:s30], [sflag:$0x1] =	stream.indirect_vreg.gather [hbm4b:s7+s2], $0x80, v2, vm0, $0xb8;
	[tilespmem:$0x9080] =	vst v63  }
0x2c: {  	_ = 	snop  }
0x2d: {  	[tilespmem:s31], [sflag:$0x1] =	stream.indirect_vreg.gather [hbm4b:s8+s2], $0x80, v2, vm0, $0xb8;
	[tilespmem:$0x9080] =	vst v63  }
0x2e: {  	_ = 	snop  }
0x2f: {  	[tilespmem:s1], [sflag:$0x1] =	stream.indirect_vreg.gather [hbm4b:s9+s2], $0x80, v2, vm0, $0xb8;
	[tilespmem:$0x9080] =	vst v63  }
0x30: {  	s0 =	simm.s32 $0x3080  }
0x31: {  	[tilespmem:s0], [sflag:$0x1] =	stream.indirect_vreg.gather [hbm4b:s10+s2], $0x80, v2, vm0, $0xb8;
	[tilespmem:$0x9080] =	vst v63  }
0x32: {  	_ = 	snop  }
0x33: {  	[tilespmem:s4], [sflag:$0x1] =	stream.indirect_vreg.gather [hbm4b:s11+s2], $0x80, v2, vm0, $0xb8;
	[tilespmem:$0x9080] =	vst v63  }
0x34: {  	s26 =	simm.s32 $0x4080  }
0x35: {  	[tilespmem:s26], [sflag:$0x1] =	stream.indirect_vreg.gather [hbm4b:s12+s2], $0x80, v2, vm0, $0xb8;
	[tilespmem:$0x9080] =	vst v63  }
0x36: {  	s26 =	simm.s32 $0x4880  }
0x37: {  	[tilespmem:s26], [sflag:$0x1] =	stream.indirect_vreg.gather [hbm4b:s13+s2], $0x80, v2, vm0, $0xb8;
	[tilespmem:$0x9080] =	vst v63  }
0x38: {  	s26 =	simm.s32 $0x5080  }
0x39: {  	[tilespmem:s26], [sflag:$0x1] =	stream.indirect_vreg.gather [hbm4b:s14+s2], $0x80, v2, vm0, $0xb8;
	[tilespmem:$0x9080] =	vst v63  }
0x3a: {  	s26 =	simm.s32 $0x5880  }
0x3b: {  	[tilespmem:s26], [sflag:$0x1] =	stream.indirect_vreg.gather [hbm4b:s15+s2], $0x80, v2, vm0, $0xb8;
	[tilespmem:$0x9080] =	vst v63  }
0x3c: {  	s26 =	simm.s32 $0x6080  }
0x3d: {  	[tilespmem:s26], [sflag:$0x1] =	stream.indirect_vreg.gather [hbm4b:s17+s2], $0x80, v2, vm0, $0xb8;
	[tilespmem:$0x9080] =	vst v63  }
0x3e: {  	s26 =	simm.s32 $0x6880  }
0x3f: {  	[tilespmem:s26], [sflag:$0x1] =	stream.indirect_vreg.gather [hbm4b:s18+s2], $0x80, v2, vm0, $0xb8;
	[tilespmem:$0x9080] =	vst v63  }
0x40: {  	s26 =	simm.s32 $0x7080  }
0x41: {  	[tilespmem:s26], [sflag:$0x1] =	stream.indirect_vreg.gather [hbm4b:s19+s2], $0x80, v2, vm0, $0xb8;
	[tilespmem:$0x9080] =	vst v63  }
0x42: {  	s26 =	simm.s32 $0x7880  }
0x43: {  	[tilespmem:s26], [sflag:$0x1] =	stream.indirect_vreg.gather [hbm4b:s20+s2], $0x80, v2, vm0, $0xb8;
	[tilespmem:$0x9080] =	vst v63  }
0x44: {  	s26 =	simm.s32 $0x8080  }
0x45: {  	[tilespmem:s26], [sflag:$0x1] =	stream.indirect_vreg.gather [hbm4b:s21+s2], $0x80, v2, vm0, $0xb8;
	[tilespmem:$0x9080] =	vst v63  }
0x46: {  	s26 =	simm.s32 $0x8880  }
0x47: {  	[tilespmem:s26], [sflag:$0x1] =	stream.indirect_vreg.gather [hbm4b:s22+s2], $0x80, v2, vm0, $0xb8;
	[tilespmem:$0x9080] =	vst v63  }
0x48: {  	_ =	swait.ge [sflag:s16], $0x9000  }
0x49: {  	[sflag:s16] =	ssyncset.done $0x0  }
0x4a: {  	s26 =	rddreg [dreg:$0xc];
	[sflag:s16] =	ssyncadd.s32 $0xFFFF7000  }
0x4b: {  	[hbm4b:s26+s2] =	stream.linear.scatter [tilespmem:s25], [sflag:$0x2], $0x9000, $0x38;
	[tilespmem:$0x9080] =	vst v63  }
0x4c: {  	_ =	swait.ge [sflag:s24], $0x9000  }
0x4d: {  	[sflag:s24] =	ssyncset.done $0x0  }
0x4e: {  	s26 =	rddreg [dreg:$0x3];
	[sflag:s24] =	ssyncadd.s32 $0xFFFF7000  }
0x4f: {  	[tilespmem:s2], [sflag:$0x2] =	stream.linear.gather [hbm4b:s26+s2], $0x8, $0x38;
	[tilespmem:$0x9080] =	vst v63  }
0x50: {  	_ =	swait.ge [sflag:s24], $0x8  }
0x51: {  	[sflag:s24] =	ssyncset.done $0x0  }
0x52: {  	[sflag:s24] =	ssyncadd.s32 $0xFFFFFFF8  }
0x53: {  	v2 =	vld.msk [tilespmem:$0x0], $0xff;
	_ =	sdelay $0x4  }
0x54: {  	v3 =	vshrl.u32 v2, $0x3  }
0x55: {  	v3 =	vmul.u32 $0x120, v3  }
0x56: {  	v2 =	vand.u32 $0x7, v2  }
0x57: {  	v2 =	vor.u32 v2, v3  }
0x58: {  	v2 =	vperm.xlane v2, v0;
	_ =	sdelay $0x1  }
0x59: {  	v2 =	vadd.s32 v1, v2;
	_ =	sdelay $0x4  }
0x5a: {  	[tilespmem:s25], [sflag:$0x1] =	stream.indirect_vreg.gather [hbm4b:s3+s2], $0x80, v2, vm0, $0xb8;
	[tilespmem:$0x9080] =	vst v63  }
0x5b: {  	_ = 	snop  }
0x5c: {  	[tilespmem:s28], [sflag:$0x1] =	stream.indirect_vreg.gather [hbm4b:s5+s2], $0x80, v2, vm0, $0xb8;
	[tilespmem:$0x9080] =	vst v63  }
0x5d: {  	_ = 	snop  }
0x5e: {  	[tilespmem:s29], [sflag:$0x1] =	stream.indirect_vreg.gather [hbm4b:s6+s2], $0x80, v2, vm0, $0xb8;
	[tilespmem:$0x9080] =	vst v63  }
0x5f: {  	_ = 	snop  }
0x60: {  	[tilespmem:s30], [sflag:$0x1] =	stream.indirect_vreg.gather [hbm4b:s7+s2], $0x80, v2, vm0, $0xb8;
	[tilespmem:$0x9080] =	vst v63  }
0x61: {  	_ = 	snop  }
0x62: {  	[tilespmem:s31], [sflag:$0x1] =	stream.indirect_vreg.gather [hbm4b:s8+s2], $0x80, v2, vm0, $0xb8;
	[tilespmem:$0x9080] =	vst v63  }
0x63: {  	_ = 	snop  }
0x64: {  	[tilespmem:s1], [sflag:$0x1] =	stream.indirect_vreg.gather [hbm4b:s9+s2], $0x80, v2, vm0, $0xb8;
	[tilespmem:$0x9080] =	vst v63  }
0x65: {  	_ = 	snop  }
0x66: {  	[tilespmem:s0], [sflag:$0x1] =	stream.indirect_vreg.gather [hbm4b:s10+s2], $0x80, v2, vm0, $0xb8;
	[tilespmem:$0x9080] =	vst v63  }
0x67: {  	_ = 	snop  }
0x68: {  	[tilespmem:s4], [sflag:$0x1] =	stream.indirect_vreg.gather [hbm4b:s11+s2], $0x80, v2, vm0, $0xb8;
	[tilespmem:$0x9080] =	vst v63  }
0x69: {  	s26 =	simm.s32 $0x4080  }
0x6a: {  	[tilespmem:s26], [sflag:$0x1] =	stream.indirect_vreg.gather [hbm4b:s12+s2], $0x80, v2, vm0, $0xb8;
	[tilespmem:$0x9080] =	vst v63  }
0x6b: {  	s26 =	simm.s32 $0x4880  }
0x6c: {  	[tilespmem:s26], [sflag:$0x1] =	stream.indirect_vreg.gather [hbm4b:s13+s2], $0x80, v2, vm0, $0xb8;
	[tilespmem:$0x9080] =	vst v63  }
0x6d: {  	s26 =	simm.s32 $0x5080  }
0x6e: {  	[tilespmem:s26], [sflag:$0x1] =	stream.indirect_vreg.gather [hbm4b:s14+s2], $0x80, v2, vm0, $0xb8;
	[tilespmem:$0x9080] =	vst v63  }
0x6f: {  	s26 =	simm.s32 $0x5880  }
0x70: {  	[tilespmem:s26], [sflag:$0x1] =	stream.indirect_vreg.gather [hbm4b:s15+s2], $0x80, v2, vm0, $0xb8;
	[tilespmem:$0x9080] =	vst v63  }
0x71: {  	s26 =	simm.s32 $0x6080  }
0x72: {  	[tilespmem:s26], [sflag:$0x1] =	stream.indirect_vreg.gather [hbm4b:s17+s2], $0x80, v2, vm0, $0xb8;
	[tilespmem:$0x9080] =	vst v63  }
0x73: {  	s26 =	simm.s32 $0x6880  }
0x74: {  	[tilespmem:s26], [sflag:$0x1] =	stream.indirect_vreg.gather [hbm4b:s18+s2], $0x80, v2, vm0, $0xb8;
	[tilespmem:$0x9080] =	vst v63  }
0x75: {  	s26 =	simm.s32 $0x7080  }
0x76: {  	[tilespmem:s26], [sflag:$0x1] =	stream.indirect_vreg.gather [hbm4b:s19+s2], $0x80, v2, vm0, $0xb8;
	[tilespmem:$0x9080] =	vst v63  }
0x77: {  	s26 =	simm.s32 $0x7880  }
0x78: {  	[tilespmem:s26], [sflag:$0x1] =	stream.indirect_vreg.gather [hbm4b:s20+s2], $0x80, v2, vm0, $0xb8;
	[tilespmem:$0x9080] =	vst v63  }
0x79: {  	s26 =	simm.s32 $0x8080  }
0x7a: {  	[tilespmem:s26], [sflag:$0x1] =	stream.indirect_vreg.gather [hbm4b:s21+s2], $0x80, v2, vm0, $0xb8;
	[tilespmem:$0x9080] =	vst v63  }
0x7b: {  	s26 =	simm.s32 $0x8880  }
0x7c: {  	[tilespmem:s26], [sflag:$0x1] =	stream.indirect_vreg.gather [hbm4b:s22+s2], $0x80, v2, vm0, $0xb8;
	[tilespmem:$0x9080] =	vst v63  }
0x7d: {  	_ =	swait.ge [sflag:s16], $0x9000  }
0x7e: {  	[sflag:s16] =	ssyncset.done $0x0  }
0x7f: {  	s26 =	rddreg [dreg:$0x4];
	[sflag:s16] =	ssyncadd.s32 $0xFFFF7000  }
0x80: {  	[hbm4b:s26+s2] =	stream.linear.scatter [tilespmem:s25], [sflag:$0x2], $0x9000, $0x38;
	[tilespmem:$0x9080] =	vst v63  }
0x81: {  	_ =	swait.ge [sflag:s24], $0x9000  }
0x82: {  	[sflag:s24] =	ssyncset.done $0x0  }
0x83: {  	s26 =	rddreg [dreg:$0x5];
	[sflag:s24] =	ssyncadd.s32 $0xFFFF7000  }
0x84: {  	[tilespmem:s2], [sflag:$0x2] =	stream.linear.gather [hbm4b:s26+s2], $0x8, $0x38;
	[tilespmem:$0x9080] =	vst v63  }
0x85: {  	_ =	swait.ge [sflag:s24], $0x8  }
0x86: {  	[sflag:s24] =	ssyncset.done $0x0  }
0x87: {  	[sflag:s24] =	ssyncadd.s32 $0xFFFFFFF8  }
0x88: {  	v2 =	vld.msk [tilespmem:$0x0], $0xff;
	_ =	sdelay $0x4  }
0x89: {  	v3 =	vshrl.u32 v2, $0x3  }
0x8a: {  	v3 =	vmul.u32 $0x120, v3  }
0x8b: {  	v2 =	vand.u32 $0x7, v2  }
0x8c: {  	v2 =	vor.u32 v2, v3  }
0x8d: {  	v2 =	vperm.xlane v2, v0;
	_ =	sdelay $0x1  }
0x8e: {  	v2 =	vadd.s32 v1, v2;
	_ =	sdelay $0x4  }
0x8f: {  	[tilespmem:s25], [sflag:$0x1] =	stream.indirect_vreg.gather [hbm4b:s3+s2], $0x80, v2, vm0, $0xb8;
	[tilespmem:$0x9080] =	vst v63  }
0x90: {  	_ = 	snop  }
0x91: {  	[tilespmem:s28], [sflag:$0x1] =	stream.indirect_vreg.gather [hbm4b:s5+s2], $0x80, v2, vm0, $0xb8;
	[tilespmem:$0x9080] =	vst v63  }
0x92: {  	_ = 	snop  }
0x93: {  	[tilespmem:s29], [sflag:$0x1] =	stream.indirect_vreg.gather [hbm4b:s6+s2], $0x80, v2, vm0, $0xb8;
	[tilespmem:$0x9080] =	vst v63  }
0x94: {  	_ = 	snop  }
0x95: {  	[tilespmem:s30], [sflag:$0x1] =	stream.indirect_vreg.gather [hbm4b:s7+s2], $0x80, v2, vm0, $0xb8;
	[tilespmem:$0x9080] =	vst v63  }
0x96: {  	_ = 	snop  }
0x97: {  	[tilespmem:s31], [sflag:$0x1] =	stream.indirect_vreg.gather [hbm4b:s8+s2], $0x80, v2, vm0, $0xb8;
	[tilespmem:$0x9080] =	vst v63  }
0x98: {  	_ = 	snop  }
0x99: {  	[tilespmem:s1], [sflag:$0x1] =	stream.indirect_vreg.gather [hbm4b:s9+s2], $0x80, v2, vm0, $0xb8;
	[tilespmem:$0x9080] =	vst v63  }
0x9a: {  	_ = 	snop  }
0x9b: {  	[tilespmem:s0], [sflag:$0x1] =	stream.indirect_vreg.gather [hbm4b:s10+s2], $0x80, v2, vm0, $0xb8;
	[tilespmem:$0x9080] =	vst v63  }
0x9c: {  	_ = 	snop  }
0x9d: {  	[tilespmem:s4], [sflag:$0x1] =	stream.indirect_vreg.gather [hbm4b:s11+s2], $0x80, v2, vm0, $0xb8;
	[tilespmem:$0x9080] =	vst v63  }
0x9e: {  	s26 =	simm.s32 $0x4080  }
0x9f: {  	[tilespmem:s26], [sflag:$0x1] =	stream.indirect_vreg.gather [hbm4b:s12+s2], $0x80, v2, vm0, $0xb8;
	[tilespmem:$0x9080] =	vst v63  }
0xa0: {  	s26 =	simm.s32 $0x4880  }
0xa1: {  	[tilespmem:s26], [sflag:$0x1] =	stream.indirect_vreg.gather [hbm4b:s13+s2], $0x80, v2, vm0, $0xb8;
	[tilespmem:$0x9080] =	vst v63  }
0xa2: {  	s26 =	simm.s32 $0x5080  }
0xa3: {  	[tilespmem:s26], [sflag:$0x1] =	stream.indirect_vreg.gather [hbm4b:s14+s2], $0x80, v2, vm0, $0xb8;
	[tilespmem:$0x9080] =	vst v63  }
0xa4: {  	s26 =	simm.s32 $0x5880  }
0xa5: {  	[tilespmem:s26], [sflag:$0x1] =	stream.indirect_vreg.gather [hbm4b:s15+s2], $0x80, v2, vm0, $0xb8;
	[tilespmem:$0x9080] =	vst v63  }
0xa6: {  	s26 =	simm.s32 $0x6080  }
0xa7: {  	[tilespmem:s26], [sflag:$0x1] =	stream.indirect_vreg.gather [hbm4b:s17+s2], $0x80, v2, vm0, $0xb8;
	[tilespmem:$0x9080] =	vst v63  }
0xa8: {  	s26 =	simm.s32 $0x6880  }
0xa9: {  	[tilespmem:s26], [sflag:$0x1] =	stream.indirect_vreg.gather [hbm4b:s18+s2], $0x80, v2, vm0, $0xb8;
	[tilespmem:$0x9080] =	vst v63  }
0xaa: {  	s26 =	simm.s32 $0x7080  }
0xab: {  	[tilespmem:s26], [sflag:$0x1] =	stream.indirect_vreg.gather [hbm4b:s19+s2], $0x80, v2, vm0, $0xb8;
	[tilespmem:$0x9080] =	vst v63  }
0xac: {  	s26 =	simm.s32 $0x7880  }
0xad: {  	[tilespmem:s26], [sflag:$0x1] =	stream.indirect_vreg.gather [hbm4b:s20+s2], $0x80, v2, vm0, $0xb8;
	[tilespmem:$0x9080] =	vst v63  }
0xae: {  	s26 =	simm.s32 $0x8080  }
0xaf: {  	[tilespmem:s26], [sflag:$0x1] =	stream.indirect_vreg.gather [hbm4b:s21+s2], $0x80, v2, vm0, $0xb8;
	[tilespmem:$0x9080] =	vst v63  }
0xb0: {  	s26 =	simm.s32 $0x8880  }
0xb1: {  	[tilespmem:s26], [sflag:$0x1] =	stream.indirect_vreg.gather [hbm4b:s22+s2], $0x80, v2, vm0, $0xb8;
	[tilespmem:$0x9080] =	vst v63  }
0xb2: {  	_ =	swait.ge [sflag:s16], $0x9000  }
0xb3: {  	[sflag:s16] =	ssyncset.done $0x0  }
0xb4: {  	s26 =	rddreg [dreg:$0x6];
	[sflag:s16] =	ssyncadd.s32 $0xFFFF7000  }
0xb5: {  	[hbm4b:s26+s2] =	stream.linear.scatter [tilespmem:s25], [sflag:$0x2], $0x9000, $0x38;
	[tilespmem:$0x9080] =	vst v63  }
0xb6: {  	_ =	swait.ge [sflag:s24], $0x9000  }
0xb7: {  	[sflag:s24] =	ssyncset.done $0x0  }
0xb8: {  	s26 =	rddreg [dreg:$0x7];
	[sflag:s24] =	ssyncadd.s32 $0xFFFF7000  }
0xb9: {  	[tilespmem:s2], [sflag:$0x2] =	stream.linear.gather [hbm4b:s26+s2], $0x8, $0x38;
	[tilespmem:$0x9080] =	vst v63  }
0xba: {  	_ =	swait.ge [sflag:s24], $0x8  }
0xbb: {  	[sflag:s24] =	ssyncset.done $0x0  }
0xbc: {  	[sflag:s24] =	ssyncadd.s32 $0xFFFFFFF8  }
0xbd: {  	v2 =	vld.msk [tilespmem:$0x0], $0xff;
	_ =	sdelay $0x4  }
0xbe: {  	v3 =	vshrl.u32 v2, $0x3  }
0xbf: {  	v3 =	vmul.u32 $0x120, v3  }
0xc0: {  	v2 =	vand.u32 $0x7, v2  }
0xc1: {  	v2 =	vor.u32 v2, v3  }
0xc2: {  	v2 =	vperm.xlane v2, v0;
	_ =	sdelay $0x1  }
0xc3: {  	v2 =	vadd.s32 v1, v2;
	_ =	sdelay $0x4  }
0xc4: {  	[tilespmem:s25], [sflag:$0x1] =	stream.indirect_vreg.gather [hbm4b:s3+s2], $0x80, v2, vm0, $0xb8;
	[tilespmem:$0x9080] =	vst v63  }
0xc5: {  	_ = 	snop  }
0xc6: {  	[tilespmem:s28], [sflag:$0x1] =	stream.indirect_vreg.gather [hbm4b:s5+s2], $0x80, v2, vm0, $0xb8;
	[tilespmem:$0x9080] =	vst v63  }
0xc7: {  	_ = 	snop  }
0xc8: {  	[tilespmem:s29], [sflag:$0x1] =	stream.indirect_vreg.gather [hbm4b:s6+s2], $0x80, v2, vm0, $0xb8;
	[tilespmem:$0x9080] =	vst v63  }
0xc9: {  	_ = 	snop  }
0xca: {  	[tilespmem:s30], [sflag:$0x1] =	stream.indirect_vreg.gather [hbm4b:s7+s2], $0x80, v2, vm0, $0xb8;
	[tilespmem:$0x9080] =	vst v63  }
0xcb: {  	_ = 	snop  }
0xcc: {  	[tilespmem:s31], [sflag:$0x1] =	stream.indirect_vreg.gather [hbm4b:s8+s2], $0x80, v2, vm0, $0xb8;
	[tilespmem:$0x9080] =	vst v63  }
0xcd: {  	_ = 	snop  }
0xce: {  	[tilespmem:s1], [sflag:$0x1] =	stream.indirect_vreg.gather [hbm4b:s9+s2], $0x80, v2, vm0, $0xb8;
	[tilespmem:$0x9080] =	vst v63  }
0xcf: {  	_ = 	snop  }
0xd0: {  	[tilespmem:s0], [sflag:$0x1] =	stream.indirect_vreg.gather [hbm4b:s10+s2], $0x80, v2, vm0, $0xb8;
	[tilespmem:$0x9080] =	vst v63  }
0xd1: {  	_ = 	snop  }
0xd2: {  	[tilespmem:s4], [sflag:$0x1] =	stream.indirect_vreg.gather [hbm4b:s11+s2], $0x80, v2, vm0, $0xb8;
	[tilespmem:$0x9080] =	vst v63  }
0xd3: {  	s26 =	simm.s32 $0x4080  }
0xd4: {  	[tilespmem:s26], [sflag:$0x1] =	stream.indirect_vreg.gather [hbm4b:s12+s2], $0x80, v2, vm0, $0xb8;
	[tilespmem:$0x9080] =	vst v63  }
0xd5: {  	s26 =	simm.s32 $0x4880  }
0xd6: {  	[tilespmem:s26], [sflag:$0x1] =	stream.indirect_vreg.gather [hbm4b:s13+s2], $0x80, v2, vm0, $0xb8;
	[tilespmem:$0x9080] =	vst v63  }
0xd7: {  	s26 =	simm.s32 $0x5080  }
0xd8: {  	[tilespmem:s26], [sflag:$0x1] =	stream.indirect_vreg.gather [hbm4b:s14+s2], $0x80, v2, vm0, $0xb8;
	[tilespmem:$0x9080] =	vst v63  }
0xd9: {  	s26 =	simm.s32 $0x5880  }
0xda: {  	[tilespmem:s26], [sflag:$0x1] =	stream.indirect_vreg.gather [hbm4b:s15+s2], $0x80, v2, vm0, $0xb8;
	[tilespmem:$0x9080] =	vst v63  }
0xdb: {  	s26 =	simm.s32 $0x6080  }
0xdc: {  	[tilespmem:s26], [sflag:$0x1] =	stream.indirect_vreg.gather [hbm4b:s17+s2], $0x80, v2, vm0, $0xb8;
	[tilespmem:$0x9080] =	vst v63  }
0xdd: {  	s26 =	simm.s32 $0x6880  }
0xde: {  	[tilespmem:s26], [sflag:$0x1] =	stream.indirect_vreg.gather [hbm4b:s18+s2], $0x80, v2, vm0, $0xb8;
	[tilespmem:$0x9080] =	vst v63  }
0xdf: {  	s26 =	simm.s32 $0x7080  }
0xe0: {  	[tilespmem:s26], [sflag:$0x1] =	stream.indirect_vreg.gather [hbm4b:s19+s2], $0x80, v2, vm0, $0xb8;
	[tilespmem:$0x9080] =	vst v63  }
0xe1: {  	s26 =	simm.s32 $0x7880  }
0xe2: {  	[tilespmem:s26], [sflag:$0x1] =	stream.indirect_vreg.gather [hbm4b:s20+s2], $0x80, v2, vm0, $0xb8;
	[tilespmem:$0x9080] =	vst v63  }
0xe3: {  	s26 =	simm.s32 $0x8080  }
0xe4: {  	[tilespmem:s26], [sflag:$0x1] =	stream.indirect_vreg.gather [hbm4b:s21+s2], $0x80, v2, vm0, $0xb8;
	[tilespmem:$0x9080] =	vst v63  }
0xe5: {  	s26 =	simm.s32 $0x8880  }
0xe6: {  	[tilespmem:s26], [sflag:$0x1] =	stream.indirect_vreg.gather [hbm4b:s22+s2], $0x80, v2, vm0, $0xb8;
	[tilespmem:$0x9080] =	vst v63  }
0xe7: {  	_ =	swait.ge [sflag:s16], $0x9000  }
0xe8: {  	[sflag:s16] =	ssyncset.done $0x0  }
0xe9: {  	s26 =	rddreg [dreg:$0x8];
	[sflag:s16] =	ssyncadd.s32 $0xFFFF7000  }
0xea: {  	[hbm4b:s26+s2] =	stream.linear.scatter [tilespmem:s25], [sflag:$0x2], $0x9000, $0x38;
	[tilespmem:$0x9080] =	vst v63  }
0xeb: {  	_ =	swait.ge [sflag:s24], $0x9000  }
0xec: {  	[sflag:s24] =	ssyncset.done $0x0  }
0xed: {  	s26 =	rddreg [dreg:$0x9];
	[sflag:s24] =	ssyncadd.s32 $0xFFFF7000  }
0xee: {  	[tilespmem:s2], [sflag:$0x2] =	stream.linear.gather [hbm4b:s26+s2], $0x8, $0x38;
	[tilespmem:$0x9080] =	vst v63  }
0xef: {  	_ =	swait.ge [sflag:s24], $0x8  }
0xf0: {  	[sflag:s24] =	ssyncset.done $0x0  }
0xf1: {  	[sflag:s24] =	ssyncadd.s32 $0xFFFFFFF8  }
0xf2: {  	v2 =	vld.msk [tilespmem:$0x0], $0xff;
	_ =	sdelay $0x4  }
0xf3: {  	v3 =	vshrl.u32 v2, $0x3  }
0xf4: {  	v3 =	vmul.u32 $0x120, v3  }
0xf5: {  	v2 =	vand.u32 $0x7, v2  }
0xf6: {  	v2 =	vor.u32 v2, v3  }
0xf7: {  	v2 =	vperm.xlane v2, v0;
	_ =	sdelay $0x1  }
0xf8: {  	v2 =	vadd.s32 v1, v2;
	_ =	sdelay $0x4  }
0xf9: {  	[tilespmem:s25], [sflag:$0x1] =	stream.indirect_vreg.gather [hbm4b:s3+s2], $0x80, v2, vm0, $0xb8;
	[tilespmem:$0x9080] =	vst v63  }
0xfa: {  	_ = 	snop  }
0xfb: {  	[tilespmem:s28], [sflag:$0x1] =	stream.indirect_vreg.gather [hbm4b:s5+s2], $0x80, v2, vm0, $0xb8;
	[tilespmem:$0x9080] =	vst v63  }
0xfc: {  	_ = 	snop  }
0xfd: {  	[tilespmem:s29], [sflag:$0x1] =	stream.indirect_vreg.gather [hbm4b:s6+s2], $0x80, v2, vm0, $0xb8;
	[tilespmem:$0x9080] =	vst v63  }
0xfe: {  	_ = 	snop  }
0xff: {  	[tilespmem:s30], [sflag:$0x1] =	stream.indirect_vreg.gather [hbm4b:s7+s2], $0x80, v2, vm0, $0xb8;
	[tilespmem:$0x9080] =	vst v63  }
0x100: {  	_ = 	snop  }
0x101: {  	[tilespmem:s31], [sflag:$0x1] =	stream.indirect_vreg.gather [hbm4b:s8+s2], $0x80, v2, vm0, $0xb8;
	[tilespmem:$0x9080] =	vst v63  }
0x102: {  	_ = 	snop  }
0x103: {  	[tilespmem:s1], [sflag:$0x1] =	stream.indirect_vreg.gather [hbm4b:s9+s2], $0x80, v2, vm0, $0xb8;
	[tilespmem:$0x9080] =	vst v63  }
0x104: {  	_ = 	snop  }
0x105: {  	[tilespmem:s0], [sflag:$0x1] =	stream.indirect_vreg.gather [hbm4b:s10+s2], $0x80, v2, vm0, $0xb8;
	[tilespmem:$0x9080] =	vst v63  }
0x106: {  	_ = 	snop  }
0x107: {  	[tilespmem:s4], [sflag:$0x1] =	stream.indirect_vreg.gather [hbm4b:s11+s2], $0x80, v2, vm0, $0xb8;
	[tilespmem:$0x9080] =	vst v63  }
0x108: {  	s26 =	simm.s32 $0x4080  }
0x109: {  	[tilespmem:s26], [sflag:$0x1] =	stream.indirect_vreg.gather [hbm4b:s12+s2], $0x80, v2, vm0, $0xb8;
	[tilespmem:$0x9080] =	vst v63  }
0x10a: {  	s26 =	simm.s32 $0x4880  }
0x10b: {  	[tilespmem:s26], [sflag:$0x1] =	stream.indirect_vreg.gather [hbm4b:s13+s2], $0x80, v2, vm0, $0xb8;
	[tilespmem:$0x9080] =	vst v63  }
0x10c: {  	s26 =	simm.s32 $0x5080  }
0x10d: {  	[tilespmem:s26], [sflag:$0x1] =	stream.indirect_vreg.gather [hbm4b:s14+s2], $0x80, v2, vm0, $0xb8;
	[tilespmem:$0x9080] =	vst v63  }
0x10e: {  	s26 =	simm.s32 $0x5880  }
0x10f: {  	[tilespmem:s26], [sflag:$0x1] =	stream.indirect_vreg.gather [hbm4b:s15+s2], $0x80, v2, vm0, $0xb8;
	[tilespmem:$0x9080] =	vst v63  }
0x110: {  	s26 =	simm.s32 $0x6080  }
0x111: {  	[tilespmem:s26], [sflag:$0x1] =	stream.indirect_vreg.gather [hbm4b:s17+s2], $0x80, v2, vm0, $0xb8;
	[tilespmem:$0x9080] =	vst v63  }
0x112: {  	s26 =	simm.s32 $0x6880  }
0x113: {  	[tilespmem:s26], [sflag:$0x1] =	stream.indirect_vreg.gather [hbm4b:s18+s2], $0x80, v2, vm0, $0xb8;
	[tilespmem:$0x9080] =	vst v63  }
0x114: {  	s26 =	simm.s32 $0x7080  }
0x115: {  	[tilespmem:s26], [sflag:$0x1] =	stream.indirect_vreg.gather [hbm4b:s19+s2], $0x80, v2, vm0, $0xb8;
	[tilespmem:$0x9080] =	vst v63  }
0x116: {  	s26 =	simm.s32 $0x7880  }
0x117: {  	[tilespmem:s26], [sflag:$0x1] =	stream.indirect_vreg.gather [hbm4b:s20+s2], $0x80, v2, vm0, $0xb8;
	[tilespmem:$0x9080] =	vst v63  }
0x118: {  	s26 =	simm.s32 $0x8080  }
0x119: {  	[tilespmem:s26], [sflag:$0x1] =	stream.indirect_vreg.gather [hbm4b:s21+s2], $0x80, v2, vm0, $0xb8;
	[tilespmem:$0x9080] =	vst v63  }
0x11a: {  	s26 =	simm.s32 $0x8880  }
0x11b: {  	[tilespmem:s26], [sflag:$0x1] =	stream.indirect_vreg.gather [hbm4b:s22+s2], $0x80, v2, vm0, $0xb8;
	[tilespmem:$0x9080] =	vst v63  }
0x11c: {  	_ =	swait.ge [sflag:s16], $0x9000  }
0x11d: {  	p0 =	sne.s32 s23, $0x1;
	[sflag:s16] =	ssyncset.done $0x0  }
.Ltmp0:
0x11e: {  	s0 =	rddreg [dreg:$0xa];
	[sflag:s16] =	ssyncadd.s32 $0xFFFF7000;
	(pc) =	sbr.rel @p0 .LBB2_1-.Ltmp0, $4  }
0x11f: {  	[hbm4b:s0+s2] =	stream.linear.scatter [tilespmem:s25], [sflag:$0x2], $0x9000, $0x38;
	[tilespmem:$0x9080] =	vst v63  }
0x120: {  	_ =	swait.ge [sflag:s24], $0x9000  }
0x121: {  	[sflag:s24] =	ssyncset.done $0x0  }
0x122: {  	s23 =	sadd.s32 $0xFFFFFFFF, s23;
	[sflag:s24] =	ssyncadd.s32 $0xFFFF7000  }
0x123: {  	_ =	sfence.sel $0x180000  }
0x124: {  	[bflag:$0x0] =	sbarrier.arrive $0xFFFF  }
0x125: {  	_ =	strace $0x90000047  }
0x126: {  	s0 =	stileid.u32;
	[bflag:$0x2] =	sbarrier.arrive $0xFFFF  }
0x127: {  	p0 =	sne.s32 s0, $0x0;
	s0 =	rddreg [dreg:$0x2]  }
0x128: {  	s0 =	sadd.s32 @!p0 $0x100000, s0  }
0x129: {  	[sflag:s0] =	ssyncadd.tile.s32 @!p0 $0x1;
	_ =	shalt  }
.Lfunc_end2:
_tile_overlayer_lowered:
.L_overlay_start_2:
0x12a: {  	(tag) =	ssettag $0x2  }
0x12b: {  	s0 =	rddreg [dreg:$0x0];
	s2 =	stileid.u32  }
0x12c: {  	s1 =	rddreg [dreg:$0x1];
	p0 =	sne.s32 s2, $0x0  }
0x12d: {  	s3 =	rddreg [dreg:$0x2];
	[bflag:$0x3] =	sbarrier.arrive $0xFFFF;
	s2 =	simm.s32 @!p0 $0x1C02  }
0x12e: {  	[timem:s3], [sflag:s2] =	dma.local @!p0 [hbm:s0], s1  }
0x12f: {  	s0 =	simm.s32 @!p0 $0x2  }
0x130: {  	_ =	swait.ge @!p0 [sflag:s0], s1  }
0x131: {  	s1 =	ssub.s32 @!p0 $0x0, s1;
	[sflag:s0] =	ssyncset.done @!p0 $0x0  }
0x132: {  	[sflag:s0] =	ssyncadd.s32 @!p0 s1  }
0x133: {  	[bflag:$0x3] =	sbarrier.arrive $0xFFFF  }
0x134: {  	_ =	shalt  }

</sc_bundles>
